<compile_context>
chip_gen: v7x
topology: tpu7x:2x2x1
jax: 0.10.2.dev20260603
libtpu: 0.0.44.dev20260713+nightly
codegen_flags: <defaults>
</compile_context>

<pallas_src>
import functools

import jax
import jax.numpy as jnp
from jax import lax
from jax.experimental import pallas as pl
from jax.experimental.pallas import tpu as pltpu
from jax.experimental.pallas import tpu_sc as plsc

GROUPS = 2
NUM_VARS = 320
VAR_DIM = 128

BM = 1024
SB = 256


def _tc_body(x_ref, w1_ref, b1_ref, w2_ref, b2_ref,
             idx_ref, code_ppl_ref, prob_ppl_ref,
             acc0, acc1, cnt0, cnt1):
    i = pl.program_id(0)
    n = pl.num_programs(0)
    accs = (acc0, acc1)
    cnts = (cnt0, cnt1)

    @pl.when(i == 0)
    def _init():
        for r in accs + cnts:
            r[...] = jnp.zeros_like(r)

    iota = lax.broadcasted_iota(jnp.int32, (SB, NUM_VARS), 1)
    for t in range(BM // SB):
        rows = pl.ds(t * SB, SB)
        h = jnp.dot(x_ref[rows, :], w1_ref[...],
                    preferred_element_type=jnp.float32)
        h = h + b1_ref[...]
        h = h * 0.5 * (lax.erf(h * 0.7071067811865476) + 1.0)
        logits = jnp.dot(h, w2_ref[...], preferred_element_type=jnp.float32)
        logits = logits + b2_ref[...]

        ks = []
        for g in range(GROUPS):
            lg = logits[:, g * NUM_VARS:(g + 1) * NUM_VARS]
            m = jnp.max(lg, axis=1, keepdims=True)
            kg = jnp.min(jnp.where(lg == m, iota, NUM_VARS), axis=1,
                         keepdims=True)
            e = jnp.exp(lg - m)
            s = jnp.sum(e, axis=1, keepdims=True)
            accs[g][...] += jnp.sum(e / s, axis=0, keepdims=True)
            cnts[g][...] += jnp.sum((iota == kg).astype(jnp.float32), axis=0,
                                    keepdims=True)
            ks.append(kg + g * NUM_VARS)
        idx_ref[rows, :] = jnp.concatenate(ks, axis=1)

    @pl.when(i == n - 1)
    def _finish():
        nt = jnp.float32(n * BM)

        def ppl(rows):
            t = 0.0
            for r in rows:
                p = r[...] / nt
                t += jnp.exp(-jnp.sum(p * jnp.log(p + 1e-7)))
            return t

        code_ppl_ref[...] = jnp.reshape(ppl(cnts), (1, 1))
        prob_ppl_ref[...] = jnp.reshape(ppl(accs), (1, 1))


def _tc_forward(xf, W1, b1, W2, b2):
    nt = xf.shape[0]
    grid = (nt // BM,)
    return pl.pallas_call(
        _tc_body,
        grid=grid,
        in_specs=[
            pl.BlockSpec((BM, xf.shape[1]), lambda i: (i, 0)),
            pl.BlockSpec(W1.shape, lambda i: (0, 0)),
            pl.BlockSpec((1, b1.shape[1]), lambda i: (0, 0)),
            pl.BlockSpec(W2.shape, lambda i: (0, 0)),
            pl.BlockSpec((1, b2.shape[1]), lambda i: (0, 0)),
        ],
        out_specs=[
            pl.BlockSpec((BM, GROUPS), lambda i: (i, 0)),
            pl.BlockSpec((1, 1), lambda i: (0, 0)),
            pl.BlockSpec((1, 1), lambda i: (0, 0)),
        ],
        out_shape=[
            jax.ShapeDtypeStruct((nt, GROUPS), jnp.int32),
            jax.ShapeDtypeStruct((1, 1), jnp.float32),
            jax.ShapeDtypeStruct((1, 1), jnp.float32),
        ],
        scratch_shapes=[pltpu.VMEM((1, NUM_VARS), jnp.float32)] * 4,
    )(xf, W1, b1, W2, b2)


def _sc_gather(table, idx3):
    info = plsc.get_sparse_core_info()
    nw = info.num_cores * info.num_subcores
    nrows = idx3.shape[0] * idx3.shape[1] * idx3.shape[2]
    ch, kg = idx3.shape[1], idx3.shape[2]
    b_per_w = ch * kg
    mesh = plsc.VectorSubcoreMesh(core_axis_name="c", subcore_axis_name="s")

    @functools.partial(
        pl.kernel,
        mesh=mesh,
        out_type=jax.ShapeDtypeStruct((nrows, VAR_DIM), jnp.float32),
        scratch_types=[
            pltpu.VMEM((ch, kg), jnp.int32),
            pltpu.VMEM((b_per_w, VAR_DIM), jnp.float32),
            pltpu.SemaphoreType.DMA,
        ],
    )
    def k(table_hbm, idx_hbm, out_hbm, idx_v, rows_v, sem):
        wid = lax.axis_index("s") * info.num_cores + lax.axis_index("c")
        pltpu.sync_copy(idx_hbm.at[wid], idx_v)
        copies = [
            pltpu.async_copy(table_hbm.at[idx_v.at[j]],
                             rows_v.at[pl.ds(j * kg, kg)], sem)
            for j in range(ch)
        ]
        for c in copies:
            c.wait()
        pltpu.sync_copy(rows_v, out_hbm.at[pl.ds(wid * b_per_w, b_per_w)])

    return k(table, idx3)


def kernel(x, codebook, W1, b1, W2, b2):
    bsz, tsz, fsz = x.shape
    xf = x.reshape(bsz * tsz, fsz)
    idx, code_ppl, prob_ppl = _tc_forward(
        xf, W1, b1.reshape(1, -1), W2, b2.reshape(1, -1))
    table = codebook.reshape(GROUPS * NUM_VARS, VAR_DIM)
    idx3 = idx.reshape(32, -1, 128)
    gathered = _sc_gather(table, idx3)
    out = gathered.reshape(bsz, tsz, GROUPS * VAR_DIM)
    return out, code_ppl.reshape(()), prob_ppl.reshape(())

# --- scband reference (transcript-rebuilt; emitter-appended) ---
"""Pipeline reference for scband-gumbel-vector-quantizer-42949673162 (READ-ONLY COPY).

The authoritative reference and input builder live on the scoring server;
editing this copy changes nothing except your own understanding.
"""

import jax, jax.numpy as jnp
import numpy as np

GROUPS = 2
NUM_VARS = 320
VAR_DIM = 128

def setup_inputs(seed: int = 0) -> dict:
    key = jax.random.key(seed)
    k1, k2, k3, k4 = jax.random.split(key, 4)
    x = jax.random.normal(k1, (2, 2048, 1024), dtype=jnp.float32)
    codebook = jax.random.uniform(k2, (1, GROUPS * NUM_VARS, VAR_DIM), dtype=jnp.float32)
    W1 = jax.random.normal(k3, (1024, 2048), dtype=jnp.float32) * 0.02
    b1 = jnp.zeros((2048,), dtype=jnp.float32)
    W2 = jax.random.normal(k4, (2048, GROUPS * NUM_VARS), dtype=jnp.float32) * 0.02
    b2 = jnp.zeros((GROUPS * NUM_VARS,), dtype=jnp.float32)
    return {"x": x, "codebook": codebook, "W1": W1, "b1": b1, "W2": W2, "b2": b2}

def reference(x, codebook, W1, b1, W2, b2):
    # eval-mode path of GumbelVectorQuantizer (hard argmax selection)
    bsz, tsz, fsz = x.shape
    xf = x.reshape(-1, fsz)
    # weight_proj: Linear -> GELU -> Linear (weight_proj_depth=2, factor=2)
    h = jax.nn.gelu(xf @ W1 + b1, approximate=False)
    logits = (h @ W2 + b2).reshape(bsz * tsz * GROUPS, NUM_VARS)
    k = jnp.argmax(logits, axis=-1)
    hard_x = jax.nn.one_hot(k, NUM_VARS, dtype=logits.dtype).reshape(bsz * tsz, GROUPS, NUM_VARS)
    hard_probs = jnp.mean(hard_x.astype(jnp.float32), axis=0)
    code_perplexity = jnp.sum(jnp.exp(-jnp.sum(hard_probs * jnp.log(hard_probs + 1e-7), axis=-1)))
    avg_probs = jnp.mean(jax.nn.softmax(logits.reshape(bsz * tsz, GROUPS, NUM_VARS).astype(jnp.float32), axis=-1), axis=0)
    prob_perplexity = jnp.sum(jnp.exp(-jnp.sum(avg_probs * jnp.log(avg_probs + 1e-7), axis=-1)))
    # x = (one_hot.unsqueeze(-1) * vars).view(T, G, V, d).sum(-2), expressed as einsum (same math)
    vg = codebook.reshape(GROUPS, NUM_VARS, VAR_DIM)
    out = jnp.einsum('tgn,gnd->tgd', hard_x, vg).reshape(bsz, tsz, GROUPS * VAR_DIM)
    return out, code_perplexity, prob_perplexity

if __name__ == "__main__":
    import jax
    _d = setup_inputs()
    print(jax.jit(kernel)(*tuple(_d.values())))

</pallas_src>

<mosaic_0001>
#map = affine_map<(d0, d1) -> (0, 0)>
#map1 = affine_map<(d0, d1) -> (0, 0, 0)>
module attributes {stable_mosaic.version = 14 : i64} {
  func.func @k(%arg0: i32, %arg1: i32, %arg2: memref<640x128xf32, #tpu.memory_space<hbm>>, %arg3: memref<32x2x128xi32, #tpu.memory_space<hbm>>, %arg4: memref<8192x128xf32, #tpu.memory_space<hbm>>, %arg5: memref<2x128xi32, #tpu.memory_space<vmem>>, %arg6: memref<256x128xf32, #tpu.memory_space<vmem>>, %arg7: memref<!tpu.dma_semaphore, #tpu.memory_space<semaphore_mem>>) attributes {dimension_semantics = [#tpu.dimension_semantics<core_parallel>, #tpu.dimension_semantics<subcore_parallel>], iteration_bounds = array<i64: 2, 16>, scalar_prefetch = 0 : i64, scratch_operands = 3 : i64, tpu.core_type = #tpu.core_type<sc_vector_subcore>, window_params = [{transform_indices = #map}, {transform_indices = #map1}, {transform_indices = #map}]} {
    %mul3A = arith.constant 2 : i32
    %mul3A_0 = arith.muli %arg1, %mul3A : i32
    %add3A = arith.addi %mul3A_0, %arg0 : i32
    "tpu.region"() ({
      %run_scoped3A = tpu.sem_alloc : memref<!tpu.dma_semaphore, #tpu.memory_space<semaphore_mem>>
      %dma_start3A_41 = arith.constant 0 : i32
      %dma_start3A_42 = arith.constant 0 : i32
      %dma_start3A_43 = tpu.memref_slice %arg3[%add3A, %dma_start3A_41, %dma_start3A_42] : memref<32x2x128xi32, #tpu.memory_space<hbm>> -> memref<1x2x128xi32, #tpu.memory_space<hbm>>
      %dma_start3A_44 = tpu.memref_squeeze %dma_start3A_43 : memref<1x2x128xi32, #tpu.memory_space<hbm>> -> memref<2x128xi32, #tpu.memory_space<hbm>>
      %dma_start3A_45 = arith.constant 0 : i32
      %dma_start3A_46 = arith.constant 0 : i32
      %dma_start3A_47 = tpu.memref_slice %arg3[%add3A, %dma_start3A_45, %dma_start3A_46] : memref<32x2x128xi32, #tpu.memory_space<hbm>> -> memref<1x2x128xi32, #tpu.memory_space<hbm>>
      %dma_start3A_48 = tpu.memref_squeeze %dma_start3A_47 : memref<1x2x128xi32, #tpu.memory_space<hbm>> -> memref<2x128xi32, #tpu.memory_space<hbm>>
      tpu.enqueue_dma source(%dma_start3A_48 : memref<2x128xi32, #tpu.memory_space<hbm>>) target(%arg5 : memref<2x128xi32, #tpu.memory_space<vmem>>) target_semaphore(%run_scoped3A : memref<!tpu.dma_semaphore, #tpu.memory_space<semaphore_mem>>)
      %dma_wait3A_49 = arith.constant 0 : i32
      %dma_wait3A_50 = arith.constant 0 : i32
      %dma_wait3A_51 = tpu.memref_slice %arg3[%add3A, %dma_wait3A_49, %dma_wait3A_50] : memref<32x2x128xi32, #tpu.memory_space<hbm>> -> memref<1x2x128xi32, #tpu.memory_space<hbm>>
      %dma_wait3A_52 = tpu.memref_squeeze %dma_wait3A_51 : memref<1x2x128xi32, #tpu.memory_space<hbm>> -> memref<2x128xi32, #tpu.memory_space<hbm>>
      %dma_wait3A_53 = arith.constant 0 : i32
      %dma_wait3A_54 = arith.constant 0 : i32
      %dma_wait3A_55 = tpu.memref_slice %arg3[%add3A, %dma_wait3A_53, %dma_wait3A_54] : memref<32x2x128xi32, #tpu.memory_space<hbm>> -> memref<1x2x128xi32, #tpu.memory_space<hbm>>
      %dma_wait3A_56 = tpu.memref_squeeze %dma_wait3A_55 : memref<1x2x128xi32, #tpu.memory_space<hbm>> -> memref<2x128xi32, #tpu.memory_space<hbm>>
      tpu.wait_dma2 semaphore(%run_scoped3A : memref<!tpu.dma_semaphore, #tpu.memory_space<semaphore_mem>>) src(%dma_wait3A_56 : memref<2x128xi32, #tpu.memory_space<hbm>>) dst(%arg5 : memref<2x128xi32, #tpu.memory_space<vmem>>)
      tpu.yield
    }) : () -> ()
    %dma_start3A = arith.constant 0 : i32
    %dma_start3A_1 = arith.constant 0 : i32
    %dma_start3A_2 = arith.constant 0 : i32
    %dma_start3A_3 = tpu.memref_slice %arg6[%dma_start3A_1, %dma_start3A_2] : memref<256x128xf32, #tpu.memory_space<vmem>> -> memref<128x128xf32, #tpu.memory_space<vmem>>
    %dma_start3A_4 = arith.constant 0 : i32
    %dma_start3A_5 = tpu.memref_slice %arg5[%dma_start3A, %dma_start3A_4] : memref<2x128xi32, #tpu.memory_space<vmem>> -> memref<1x128xi32, #tpu.memory_space<vmem>>
    %dma_start3A_6 = tpu.memref_squeeze %dma_start3A_5 : memref<1x128xi32, #tpu.memory_space<vmem>> -> memref<128xi32, #tpu.memory_space<vmem>>
    %dma_start3A_7 = arith.constant 0 : i32
    %dma_start3A_8 = arith.constant 0 : i32
    %dma_start3A_9 = tpu.memref_slice %arg2[%dma_start3A_7, %dma_start3A_8] : memref<640x128xf32, #tpu.memory_space<hbm>> -> memref<640x128xf32, #tpu.memory_space<hbm>>
    tpu.enqueue_indirect_dma source(%dma_start3A_9 : memref<640x128xf32, #tpu.memory_space<hbm>>) target(%dma_start3A_3 : memref<128x128xf32, #tpu.memory_space<vmem>>) offsets(%dma_start3A_6 : memref<128xi32, #tpu.memory_space<vmem>>) semaphore(%arg7 : memref<!tpu.dma_semaphore, #tpu.memory_space<semaphore_mem>>)
    %dma_start3A_10 = arith.constant 1 : i32
    %dma_start3A_11 = arith.constant 128 : i32
    %dma_start3A_12 = arith.constant 0 : i32
    %dma_start3A_13 = tpu.memref_slice %arg6[%dma_start3A_11, %dma_start3A_12] : memref<256x128xf32, #tpu.memory_space<vmem>> -> memref<128x128xf32, #tpu.memory_space<vmem>>
    %dma_start3A_14 = arith.constant 0 : i32
    %dma_start3A_15 = tpu.memref_slice %arg5[%dma_start3A_10, %dma_start3A_14] : memref<2x128xi32, #tpu.memory_space<vmem>> -> memref<1x128xi32, #tpu.memory_space<vmem>>
    %dma_start3A_16 = tpu.memref_squeeze %dma_start3A_15 : memref<1x128xi32, #tpu.memory_space<vmem>> -> memref<128xi32, #tpu.memory_space<vmem>>
    %dma_start3A_17 = arith.constant 0 : i32
    %dma_start3A_18 = arith.constant 0 : i32
    %dma_start3A_19 = tpu.memref_slice %arg2[%dma_start3A_17, %dma_start3A_18] : memref<640x128xf32, #tpu.memory_space<hbm>> -> memref<640x128xf32, #tpu.memory_space<hbm>>
    tpu.enqueue_indirect_dma source(%dma_start3A_19 : memref<640x128xf32, #tpu.memory_space<hbm>>) target(%dma_start3A_13 : memref<128x128xf32, #tpu.memory_space<vmem>>) offsets(%dma_start3A_16 : memref<128xi32, #tpu.memory_space<vmem>>) semaphore(%arg7 : memref<!tpu.dma_semaphore, #tpu.memory_space<semaphore_mem>>)
    %dma_wait3A = arith.constant 0 : i32
    %dma_wait3A_20 = arith.constant 0 : i32
    %dma_wait3A_21 = arith.constant 0 : i32
    %dma_wait3A_22 = tpu.memref_slice %arg6[%dma_wait3A_20, %dma_wait3A_21] : memref<256x128xf32, #tpu.memory_space<vmem>> -> memref<128x128xf32, #tpu.memory_space<vmem>>
    %dma_wait3A_23 = arith.constant 0 : i32
    %dma_wait3A_24 = tpu.memref_slice %arg5[%dma_wait3A, %dma_wait3A_23] : memref<2x128xi32, #tpu.memory_space<vmem>> -> memref<1x128xi32, #tpu.memory_space<vmem>>
    %dma_wait3A_25 = tpu.memref_squeeze %dma_wait3A_24 : memref<1x128xi32, #tpu.memory_space<vmem>> -> memref<128xi32, #tpu.memory_space<vmem>>
    %dma_wait3A_26 = arith.constant 0 : i32
    %dma_wait3A_27 = arith.constant 0 : i32
    %dma_wait3A_28 = tpu.memref_slice %arg2[%dma_wait3A_26, %dma_wait3A_27] : memref<640x128xf32, #tpu.memory_space<hbm>> -> memref<640x128xf32, #tpu.memory_space<hbm>>
    tpu.wait_indirect_dma semaphore(%arg7 : memref<!tpu.dma_semaphore, #tpu.memory_space<semaphore_mem>>) src(%dma_wait3A_28 : memref<640x128xf32, #tpu.memory_space<hbm>>) dst(%dma_wait3A_22 : memref<128x128xf32, #tpu.memory_space<vmem>>)
    %dma_wait3A_29 = arith.constant 1 : i32
    %dma_wait3A_30 = arith.constant 128 : i32
    %dma_wait3A_31 = arith.constant 0 : i32
    %dma_wait3A_32 = tpu.memref_slice %arg6[%dma_wait3A_30, %dma_wait3A_31] : memref<256x128xf32, #tpu.memory_space<vmem>> -> memref<128x128xf32, #tpu.memory_space<vmem>>
    %dma_wait3A_33 = arith.constant 0 : i32
    %dma_wait3A_34 = tpu.memref_slice %arg5[%dma_wait3A_29, %dma_wait3A_33] : memref<2x128xi32, #tpu.memory_space<vmem>> -> memref<1x128xi32, #tpu.memory_space<vmem>>
    %dma_wait3A_35 = tpu.memref_squeeze %dma_wait3A_34 : memref<1x128xi32, #tpu.memory_space<vmem>> -> memref<128xi32, #tpu.memory_space<vmem>>
    %dma_wait3A_36 = arith.constant 0 : i32
    %dma_wait3A_37 = arith.constant 0 : i32
    %dma_wait3A_38 = tpu.memref_slice %arg2[%dma_wait3A_36, %dma_wait3A_37] : memref<640x128xf32, #tpu.memory_space<hbm>> -> memref<640x128xf32, #tpu.memory_space<hbm>>
    tpu.wait_indirect_dma semaphore(%arg7 : memref<!tpu.dma_semaphore, #tpu.memory_space<semaphore_mem>>) src(%dma_wait3A_38 : memref<640x128xf32, #tpu.memory_space<hbm>>) dst(%dma_wait3A_32 : memref<128x128xf32, #tpu.memory_space<vmem>>)
    %mul3A_39 = arith.constant 256 : i32
    %mul3A_40 = arith.muli %add3A, %mul3A_39 : i32
    "tpu.region"() ({
      %run_scoped3A = tpu.sem_alloc : memref<!tpu.dma_semaphore, #tpu.memory_space<semaphore_mem>>
      %dma_start3A_41 = arith.constant 0 : i32
      %dma_start3A_42 = tpu.memref_slice %arg4[%mul3A_40, %dma_start3A_41] : memref<8192x128xf32, #tpu.memory_space<hbm>> -> memref<256x128xf32, #tpu.memory_space<hbm>>
      %dma_start3A_43 = arith.constant 0 : i32
      %dma_start3A_44 = tpu.memref_slice %arg4[%mul3A_40, %dma_start3A_43] : memref<8192x128xf32, #tpu.memory_space<hbm>> -> memref<256x128xf32, #tpu.memory_space<hbm>>
      tpu.enqueue_dma source(%arg6 : memref<256x128xf32, #tpu.memory_space<vmem>>) target(%dma_start3A_44 : memref<256x128xf32, #tpu.memory_space<hbm>>) target_semaphore(%run_scoped3A : memref<!tpu.dma_semaphore, #tpu.memory_space<semaphore_mem>>)
      %dma_wait3A_45 = arith.constant 0 : i32
      %dma_wait3A_46 = tpu.memref_slice %arg4[%mul3A_40, %dma_wait3A_45] : memref<8192x128xf32, #tpu.memory_space<hbm>> -> memref<256x128xf32, #tpu.memory_space<hbm>>
      %dma_wait3A_47 = arith.constant 0 : i32
      %dma_wait3A_48 = tpu.memref_slice %arg4[%mul3A_40, %dma_wait3A_47] : memref<8192x128xf32, #tpu.memory_space<hbm>> -> memref<256x128xf32, #tpu.memory_space<hbm>>
      tpu.wait_dma2 semaphore(%run_scoped3A : memref<!tpu.dma_semaphore, #tpu.memory_space<semaphore_mem>>) src(%arg6 : memref<256x128xf32, #tpu.memory_space<vmem>>) dst(%dma_wait3A_48 : memref<256x128xf32, #tpu.memory_space<hbm>>)
      tpu.yield
    }) : () -> ()
    return
  }
}

module attributes {stable_mosaic.version = 14 : i64} {
  func.func @_tc_body(%arg0: i32, %arg1: memref<1024x1024xf32, #tpu.memory_space<vmem>>, %arg2: memref<1024x2048xf32, #tpu.memory_space<vmem>>, %arg3: memref<1x2048xf32, #tpu.memory_space<vmem>>, %arg4: memref<2048x640xf32, #tpu.memory_space<vmem>>, %arg5: memref<1x640xf32, #tpu.memory_space<vmem>>, %arg6: memref<1024x2xi32, #tpu.memory_space<vmem>>, %arg7: memref<1x1xf32, #tpu.memory_space<vmem>>, %arg8: memref<1x1xf32, #tpu.memory_space<vmem>>, %arg9: memref<1x320xf32, #tpu.memory_space<vmem>>, %arg10: memref<1x320xf32, #tpu.memory_space<vmem>>, %arg11: memref<1x320xf32, #tpu.memory_space<vmem>>, %arg12: memref<1x320xf32, #tpu.memory_space<vmem>>) attributes {dimension_semantics = [#tpu.dimension_semantics<arbitrary>], iteration_bounds = array<i64: 4>, scalar_prefetch = 0 : i64, scratch_operands = 4 : i64, tpu.core_type = #tpu.core_type<tc>, window_params = [{transform_indices = @transform_0, window_bounds = array<i64: 1024, 1024>}, {pipeline_mode = #tpu.pipeline_mode<synchronous>, transform_indices = @transform_1, window_bounds = array<i64: 1024, 2048>}, {pipeline_mode = #tpu.pipeline_mode<synchronous>, transform_indices = @transform_2, window_bounds = array<i64: 1, 2048>}, {pipeline_mode = #tpu.pipeline_mode<synchronous>, transform_indices = @transform_3, window_bounds = array<i64: 2048, 640>}, {pipeline_mode = #tpu.pipeline_mode<synchronous>, transform_indices = @transform_4, window_bounds = array<i64: 1, 640>}, {transform_indices = @transform_5, window_bounds = array<i64: 1024, 2>}, {pipeline_mode = #tpu.pipeline_mode<synchronous>, transform_indices = @transform_6, window_bounds = array<i64: 1, 1>}, {pipeline_mode = #tpu.pipeline_mode<synchronous>, transform_indices = @transform_7, window_bounds = array<i64: 1, 1>}]} {
    %eq3A = arith.constant 0 : i32
    %eq3A_0 = arith.cmpi eq, %arg0, %eq3A : i32
    %convert_element_type3A = arith.extui %eq3A_0 : i1 to i32
    %cond3A = arith.constant 0 : i32
    %cond3A_1 = arith.cmpi ne, %convert_element_type3A, %cond3A : i32
    scf.if %cond3A_1 {
      %broadcast_in_dim3A_518 = arith.constant 0.000000e+00 : f32
      %broadcast_in_dim3A_519 = vector.broadcast %broadcast_in_dim3A_518 : f32 to vector<1x320xf32>
      %swap3A_520 = arith.constant 0 : index
      %swap3A_521 = arith.constant 0 : index
      %swap3A_522 = vector.load %arg9[%swap3A_520, %swap3A_521] : memref<1x320xf32, #tpu.memory_space<vmem>>, vector<1x320xf32>
      tpu.vector_store %arg9[%swap3A_520, %swap3A_521], %broadcast_in_dim3A_519 {strides = array<i32>} : memref<1x320xf32, #tpu.memory_space<vmem>>, vector<1x320xf32>,
      %broadcast_in_dim3A_523 = arith.constant 0.000000e+00 : f32
      %broadcast_in_dim3A_524 = vector.broadcast %broadcast_in_dim3A_523 : f32 to vector<1x320xf32>
      %swap3A_525 = arith.constant 0 : index
      %swap3A_526 = arith.constant 0 : index
      %swap3A_527 = vector.load %arg10[%swap3A_525, %swap3A_526] : memref<1x320xf32, #tpu.memory_space<vmem>>, vector<1x320xf32>
      tpu.vector_store %arg10[%swap3A_525, %swap3A_526], %broadcast_in_dim3A_524 {strides = array<i32>} : memref<1x320xf32, #tpu.memory_space<vmem>>, vector<1x320xf32>,
      %broadcast_in_dim3A_528 = arith.constant 0.000000e+00 : f32
      %broadcast_in_dim3A_529 = vector.broadcast %broadcast_in_dim3A_528 : f32 to vector<1x320xf32>
      %swap3A_530 = arith.constant 0 : index
      %swap3A_531 = arith.constant 0 : index
      %swap3A_532 = vector.load %arg11[%swap3A_530, %swap3A_531] : memref<1x320xf32, #tpu.memory_space<vmem>>, vector<1x320xf32>
      tpu.vector_store %arg11[%swap3A_530, %swap3A_531], %broadcast_in_dim3A_529 {strides = array<i32>} : memref<1x320xf32, #tpu.memory_space<vmem>>, vector<1x320xf32>,
      %broadcast_in_dim3A_533 = arith.constant 0.000000e+00 : f32
      %broadcast_in_dim3A_534 = vector.broadcast %broadcast_in_dim3A_533 : f32 to vector<1x320xf32>
      %swap3A_535 = arith.constant 0 : index
      %swap3A_536 = arith.constant 0 : index
      %swap3A_537 = vector.load %arg12[%swap3A_535, %swap3A_536] : memref<1x320xf32, #tpu.memory_space<vmem>>, vector<1x320xf32>
      tpu.vector_store %arg12[%swap3A_535, %swap3A_536], %broadcast_in_dim3A_534 {strides = array<i32>} : memref<1x320xf32, #tpu.memory_space<vmem>>, vector<1x320xf32>,
    } else {
    }
    %iota3A = tpu.iota {dimensions = array<i32: 1>} : vector<256x320xi32>
    %get3A = arith.constant 0 : index
    %get3A_2 = arith.constant 0 : index
    %get3A_3 = vector.load %arg1[%get3A, %get3A_2] : memref<1024x1024xf32, #tpu.memory_space<vmem>>, vector<256x1024xf32>
    %get3A_4 = arith.constant 0 : index
    %get3A_5 = arith.constant 0 : index
    %get3A_6 = vector.load %arg2[%get3A_4, %get3A_5] : memref<1024x2048xf32, #tpu.memory_space<vmem>>, vector<1024x2048xf32>
    %dot_general3A = arith.constant dense<0.000000e+00> : vector<256x2048xf32>
    %dot_general3A_7 = tpu.matmul %get3A_3, %get3A_6, %dot_general3A {dimension_numbers = #tpu.dot_dimension_numbers<[1], [0], [0], [1], [0, 0, 1, 1], [], []>, transpose_lhs_hint = false} : vector<256x1024xf32>, vector<1024x2048xf32>, vector<256x2048xf32> -> vector<256x2048xf32>
    %get3A_8 = arith.constant 0 : index
    %get3A_9 = arith.constant 0 : index
    %get3A_10 = vector.load %arg3[%get3A_8, %get3A_9] : memref<1x2048xf32, #tpu.memory_space<vmem>>, vector<1x2048xf32>
    %add3A = vector.broadcast %get3A_10 : vector<1x2048xf32> to vector<256x2048xf32>
    %add3A_11 = arith.addf %dot_general3A_7, %add3A : vector<256x2048xf32>
    %mul3A = arith.constant 5.000000e-01 : f32
    %mul3A_12 = vector.broadcast %mul3A : f32 to vector<256x2048xf32>
    %mul3A_13 = arith.mulf %add3A_11, %mul3A_12 : vector<256x2048xf32>
    %mul3A_14 = arith.constant 0.707106769 : f32
    %mul3A_15 = vector.broadcast %mul3A_14 : f32 to vector<256x2048xf32>
    %mul3A_16 = arith.mulf %add3A_11, %mul3A_15 : vector<256x2048xf32>
    %erf3A = math.erf %mul3A_16 : vector<256x2048xf32>
    %add3A_17 = arith.constant 1.000000e+00 : f32
    %add3A_18 = vector.broadcast %add3A_17 : f32 to vector<256x2048xf32>
    %add3A_19 = arith.addf %erf3A, %add3A_18 : vector<256x2048xf32>
    %mul3A_20 = arith.mulf %mul3A_13, %add3A_19 : vector<256x2048xf32>
    %get3A_21 = arith.constant 0 : index
    %get3A_22 = arith.constant 0 : index
    %get3A_23 = vector.load %arg4[%get3A_21, %get3A_22] : memref<2048x640xf32, #tpu.memory_space<vmem>>, vector<2048x640xf32>
    %dot_general3A_24 = arith.constant dense<0.000000e+00> : vector<256x640xf32>
    %dot_general3A_25 = tpu.matmul %mul3A_20, %get3A_23, %dot_general3A_24 {dimension_numbers = #tpu.dot_dimension_numbers<[1], [0], [0], [1], [0, 0, 1, 1], [], []>, transpose_lhs_hint = false} : vector<256x2048xf32>, vector<2048x640xf32>, vector<256x640xf32> -> vector<256x640xf32>
    %get3A_26 = arith.constant 0 : index
    %get3A_27 = arith.constant 0 : index
    %get3A_28 = vector.load %arg5[%get3A_26, %get3A_27] : memref<1x640xf32, #tpu.memory_space<vmem>>, vector<1x640xf32>
    %add3A_29 = vector.broadcast %get3A_28 : vector<1x640xf32> to vector<256x640xf32>
    %add3A_30 = arith.addf %dot_general3A_25, %add3A_29 : vector<256x640xf32>
    %slice3A = vector.extract_strided_slice %add3A_30 {offsets = [0, 0], sizes = [256, 320], strides = [1, 1]} : vector<256x640xf32> to vector<256x320xf32>
    %reduce_max3A = arith.constant dense<0xFF800000> : vector<256xf32>
    %reduce_max3A_31 = vector.multi_reduction <maximumf>, %slice3A, %reduce_max3A [1] : vector<256x320xf32> to vector<256xf32>
    %broadcast_in_dim3A = vector.shape_cast %reduce_max3A_31 : vector<256xf32> to vector<256x1xf32>
    %eq3A_32 = vector.broadcast %broadcast_in_dim3A : vector<256x1xf32> to vector<256x320xf32>
    %eq3A_33 = arith.cmpf oeq, %slice3A, %eq3A_32 : vector<256x320xf32>
    %jit3A = arith.constant 320 : i32
    %broadcast_in_dim3A_34 = vector.broadcast %jit3A : i32 to vector<256x320xi32>
    %select_n3A = arith.select %eq3A_33, %iota3A, %broadcast_in_dim3A_34 : vector<256x320xi1>, vector<256x320xi32>
    %reduce_min3A = arith.constant dense<2147483647> : vector<256xi32>
    %reduce_min3A_35 = vector.multi_reduction <minsi>, %select_n3A, %reduce_min3A [1] : vector<256x320xi32> to vector<256xi32>
    %broadcast_in_dim3A_36 = vector.shape_cast %reduce_min3A_35 : vector<256xi32> to vector<256x1xi32>
    %sub3A = vector.broadcast %broadcast_in_dim3A : vector<256x1xf32> to vector<256x320xf32>
    %sub3A_37 = arith.subf %slice3A, %sub3A : vector<256x320xf32>
    %exp3A = math.exp %sub3A_37 : vector<256x320xf32>
    %reduce_sum3A = arith.constant dense<0.000000e+00> : vector<256xf32>
    %reduce_sum3A_38 = vector.multi_reduction <add>, %exp3A, %reduce_sum3A [1] : vector<256x320xf32> to vector<256xf32>
    %broadcast_in_dim3A_39 = vector.shape_cast %reduce_sum3A_38 : vector<256xf32> to vector<256x1xf32>
    %get3A_40 = arith.constant 0 : index
    %get3A_41 = arith.constant 0 : index
    %get3A_42 = vector.load %arg9[%get3A_40, %get3A_41] : memref<1x320xf32, #tpu.memory_space<vmem>>, vector<1x320xf32>
    %div3A = vector.broadcast %broadcast_in_dim3A_39 : vector<256x1xf32> to vector<256x320xf32>
    %div3A_43 = arith.divf %exp3A, %div3A : vector<256x320xf32>
    %reduce_sum3A_44 = arith.constant dense<0.000000e+00> : vector<320xf32>
    %reduce_sum3A_45 = vector.multi_reduction <add>, %div3A_43, %reduce_sum3A_44 [0] : vector<256x320xf32> to vector<320xf32>
    %broadcast_in_dim3A_46 = vector.shape_cast %reduce_sum3A_45 : vector<320xf32> to vector<1x320xf32>
    %add3A_47 = arith.addf %get3A_42, %broadcast_in_dim3A_46 : vector<1x320xf32>
    %swap3A = arith.constant 0 : index
    %swap3A_48 = arith.constant 0 : index
    %swap3A_49 = vector.load %arg9[%swap3A, %swap3A_48] : memref<1x320xf32, #tpu.memory_space<vmem>>, vector<1x320xf32>
    tpu.vector_store %arg9[%swap3A, %swap3A_48], %add3A_47 {strides = array<i32>} : memref<1x320xf32, #tpu.memory_space<vmem>>, vector<1x320xf32>,
    %get3A_50 = arith.constant 0 : index
    %get3A_51 = arith.constant 0 : index
    %get3A_52 = vector.load %arg11[%get3A_50, %get3A_51] : memref<1x320xf32, #tpu.memory_space<vmem>>, vector<1x320xf32>
    %eq3A_53 = vector.broadcast %broadcast_in_dim3A_36 : vector<256x1xi32> to vector<256x320xi32>
    %eq3A_54 = arith.cmpi eq, %iota3A, %eq3A_53 : vector<256x320xi32>
    %convert_element_type3A_55 = arith.extui %eq3A_54 : vector<256x320xi1> to vector<256x320xi32>
    %convert_element_type3A_56 = arith.sitofp %convert_element_type3A_55 : vector<256x320xi32> to vector<256x320xf32>
    %reduce_sum3A_57 = arith.constant dense<0.000000e+00> : vector<320xf32>
    %reduce_sum3A_58 = vector.multi_reduction <add>, %convert_element_type3A_56, %reduce_sum3A_57 [0] : vector<256x320xf32> to vector<320xf32>
    %broadcast_in_dim3A_59 = vector.shape_cast %reduce_sum3A_58 : vector<320xf32> to vector<1x320xf32>
    %add3A_60 = arith.addf %get3A_52, %broadcast_in_dim3A_59 : vector<1x320xf32>
    %swap3A_61 = arith.constant 0 : index
    %swap3A_62 = arith.constant 0 : index
    %swap3A_63 = vector.load %arg11[%swap3A_61, %swap3A_62] : memref<1x320xf32, #tpu.memory_space<vmem>>, vector<1x320xf32>
    tpu.vector_store %arg11[%swap3A_61, %swap3A_62], %add3A_60 {strides = array<i32>} : memref<1x320xf32, #tpu.memory_space<vmem>>, vector<1x320xf32>,
    %add3A_64 = arith.constant 0 : i32
    %add3A_65 = vector.broadcast %add3A_64 : i32 to vector<256x1xi32>
    %add3A_66 = arith.addi %broadcast_in_dim3A_36, %add3A_65 : vector<256x1xi32>
    %slice3A_67 = vector.extract_strided_slice %add3A_30 {offsets = [0, 320], sizes = [256, 320], strides = [1, 1]} : vector<256x640xf32> to vector<256x320xf32>
    %reduce_max3A_68 = arith.constant dense<0xFF800000> : vector<256xf32>
    %reduce_max3A_69 = vector.multi_reduction <maximumf>, %slice3A_67, %reduce_max3A_68 [1] : vector<256x320xf32> to vector<256xf32>
    %broadcast_in_dim3A_70 = vector.shape_cast %reduce_max3A_69 : vector<256xf32> to vector<256x1xf32>
    %eq3A_71 = vector.broadcast %broadcast_in_dim3A_70 : vector<256x1xf32> to vector<256x320xf32>
    %eq3A_72 = arith.cmpf oeq, %slice3A_67, %eq3A_71 : vector<256x320xf32>
    %jit3A_73 = arith.constant 320 : i32
    %broadcast_in_dim3A_74 = vector.broadcast %jit3A_73 : i32 to vector<256x320xi32>
    %select_n3A_75 = arith.select %eq3A_72, %iota3A, %broadcast_in_dim3A_74 : vector<256x320xi1>, vector<256x320xi32>
    %reduce_min3A_76 = arith.constant dense<2147483647> : vector<256xi32>
    %reduce_min3A_77 = vector.multi_reduction <minsi>, %select_n3A_75, %reduce_min3A_76 [1] : vector<256x320xi32> to vector<256xi32>
    %broadcast_in_dim3A_78 = vector.shape_cast %reduce_min3A_77 : vector<256xi32> to vector<256x1xi32>
    %sub3A_79 = vector.broadcast %broadcast_in_dim3A_70 : vector<256x1xf32> to vector<256x320xf32>
    %sub3A_80 = arith.subf %slice3A_67, %sub3A_79 : vector<256x320xf32>
    %exp3A_81 = math.exp %sub3A_80 : vector<256x320xf32>
    %reduce_sum3A_82 = arith.constant dense<0.000000e+00> : vector<256xf32>
    %reduce_sum3A_83 = vector.multi_reduction <add>, %exp3A_81, %reduce_sum3A_82 [1] : vector<256x320xf32> to vector<256xf32>
    %broadcast_in_dim3A_84 = vector.shape_cast %reduce_sum3A_83 : vector<256xf32> to vector<256x1xf32>
    %get3A_85 = arith.constant 0 : index
    %get3A_86 = arith.constant 0 : index
    %get3A_87 = vector.load %arg10[%get3A_85, %get3A_86] : memref<1x320xf32, #tpu.memory_space<vmem>>, vector<1x320xf32>
    %div3A_88 = vector.broadcast %broadcast_in_dim3A_84 : vector<256x1xf32> to vector<256x320xf32>
    %div3A_89 = arith.divf %exp3A_81, %div3A_88 : vector<256x320xf32>
    %reduce_sum3A_90 = arith.constant dense<0.000000e+00> : vector<320xf32>
    %reduce_sum3A_91 = vector.multi_reduction <add>, %div3A_89, %reduce_sum3A_90 [0] : vector<256x320xf32> to vector<320xf32>
    %broadcast_in_dim3A_92 = vector.shape_cast %reduce_sum3A_91 : vector<320xf32> to vector<1x320xf32>
    %add3A_93 = arith.addf %get3A_87, %broadcast_in_dim3A_92 : vector<1x320xf32>
    %swap3A_94 = arith.constant 0 : index
    %swap3A_95 = arith.constant 0 : index
    %swap3A_96 = vector.load %arg10[%swap3A_94, %swap3A_95] : memref<1x320xf32, #tpu.memory_space<vmem>>, vector<1x320xf32>
    tpu.vector_store %arg10[%swap3A_94, %swap3A_95], %add3A_93 {strides = array<i32>} : memref<1x320xf32, #tpu.memory_space<vmem>>, vector<1x320xf32>,
    %get3A_97 = arith.constant 0 : index
    %get3A_98 = arith.constant 0 : index
    %get3A_99 = vector.load %arg12[%get3A_97, %get3A_98] : memref<1x320xf32, #tpu.memory_space<vmem>>, vector<1x320xf32>
    %eq3A_100 = vector.broadcast %broadcast_in_dim3A_78 : vector<256x1xi32> to vector<256x320xi32>
    %eq3A_101 = arith.cmpi eq, %iota3A, %eq3A_100 : vector<256x320xi32>
    %convert_element_type3A_102 = arith.extui %eq3A_101 : vector<256x320xi1> to vector<256x320xi32>
    %convert_element_type3A_103 = arith.sitofp %convert_element_type3A_102 : vector<256x320xi32> to vector<256x320xf32>
    %reduce_sum3A_104 = arith.constant dense<0.000000e+00> : vector<320xf32>
    %reduce_sum3A_105 = vector.multi_reduction <add>, %convert_element_type3A_103, %reduce_sum3A_104 [0] : vector<256x320xf32> to vector<320xf32>
    %broadcast_in_dim3A_106 = vector.shape_cast %reduce_sum3A_105 : vector<320xf32> to vector<1x320xf32>
    %add3A_107 = arith.addf %get3A_99, %broadcast_in_dim3A_106 : vector<1x320xf32>
    %swap3A_108 = arith.constant 0 : index
    %swap3A_109 = arith.constant 0 : index
    %swap3A_110 = vector.load %arg12[%swap3A_108, %swap3A_109] : memref<1x320xf32, #tpu.memory_space<vmem>>, vector<1x320xf32>
    tpu.vector_store %arg12[%swap3A_108, %swap3A_109], %add3A_107 {strides = array<i32>} : memref<1x320xf32, #tpu.memory_space<vmem>>, vector<1x320xf32>,
    %add3A_111 = arith.constant 320 : i32
    %add3A_112 = vector.broadcast %add3A_111 : i32 to vector<256x1xi32>
    %add3A_113 = arith.addi %broadcast_in_dim3A_78, %add3A_112 : vector<256x1xi32>
    %concatenate3A = tpu.concatenate %add3A_66, %add3A_113 in 1 : vector<256x1xi32>, vector<256x1xi32> -> vector<256x2xi32>
    %swap3A_114 = arith.constant 0 : index
    %swap3A_115 = arith.constant 0 : index
    %swap3A_116 = vector.load %arg6[%swap3A_114, %swap3A_115] : memref<1024x2xi32, #tpu.memory_space<vmem>>, vector<256x2xi32>
    tpu.vector_store %arg6[%swap3A_114, %swap3A_115], %concatenate3A {strides = array<i32>} : memref<1024x2xi32, #tpu.memory_space<vmem>>, vector<256x2xi32>,
    %get3A_117 = arith.constant 256 : index
    %get3A_118 = arith.constant 0 : index
    %get3A_119 = vector.load %arg1[%get3A_117, %get3A_118] : memref<1024x1024xf32, #tpu.memory_space<vmem>>, vector<256x1024xf32>
    %get3A_120 = arith.constant 0 : index
    %get3A_121 = arith.constant 0 : index
    %get3A_122 = vector.load %arg2[%get3A_120, %get3A_121] : memref<1024x2048xf32, #tpu.memory_space<vmem>>, vector<1024x2048xf32>
    %dot_general3A_123 = arith.constant dense<0.000000e+00> : vector<256x2048xf32>
    %dot_general3A_124 = tpu.matmul %get3A_119, %get3A_122, %dot_general3A_123 {dimension_numbers = #tpu.dot_dimension_numbers<[1], [0], [0], [1], [0, 0, 1, 1], [], []>, transpose_lhs_hint = false} : vector<256x1024xf32>, vector<1024x2048xf32>, vector<256x2048xf32> -> vector<256x2048xf32>
    %get3A_125 = arith.constant 0 : index
    %get3A_126 = arith.constant 0 : index
    %get3A_127 = vector.load %arg3[%get3A_125, %get3A_126] : memref<1x2048xf32, #tpu.memory_space<vmem>>, vector<1x2048xf32>
    %add3A_128 = vector.broadcast %get3A_127 : vector<1x2048xf32> to vector<256x2048xf32>
    %add3A_129 = arith.addf %dot_general3A_124, %add3A_128 : vector<256x2048xf32>
    %mul3A_130 = arith.constant 5.000000e-01 : f32
    %mul3A_131 = vector.broadcast %mul3A_130 : f32 to vector<256x2048xf32>
    %mul3A_132 = arith.mulf %add3A_129, %mul3A_131 : vector<256x2048xf32>
    %mul3A_133 = arith.constant 0.707106769 : f32
    %mul3A_134 = vector.broadcast %mul3A_133 : f32 to vector<256x2048xf32>
    %mul3A_135 = arith.mulf %add3A_129, %mul3A_134 : vector<256x2048xf32>
    %erf3A_136 = math.erf %mul3A_135 : vector<256x2048xf32>
    %add3A_137 = arith.constant 1.000000e+00 : f32
    %add3A_138 = vector.broadcast %add3A_137 : f32 to vector<256x2048xf32>
    %add3A_139 = arith.addf %erf3A_136, %add3A_138 : vector<256x2048xf32>
    %mul3A_140 = arith.mulf %mul3A_132, %add3A_139 : vector<256x2048xf32>
    %get3A_141 = arith.constant 0 : index
    %get3A_142 = arith.constant 0 : index
    %get3A_143 = vector.load %arg4[%get3A_141, %get3A_142] : memref<2048x640xf32, #tpu.memory_space<vmem>>, vector<2048x640xf32>
    %dot_general3A_144 = arith.constant dense<0.000000e+00> : vector<256x640xf32>
    %dot_general3A_145 = tpu.matmul %mul3A_140, %get3A_143, %dot_general3A_144 {dimension_numbers = #tpu.dot_dimension_numbers<[1], [0], [0], [1], [0, 0, 1, 1], [], []>, transpose_lhs_hint = false} : vector<256x2048xf32>, vector<2048x640xf32>, vector<256x640xf32> -> vector<256x640xf32>
    %get3A_146 = arith.constant 0 : index
    %get3A_147 = arith.constant 0 : index
    %get3A_148 = vector.load %arg5[%get3A_146, %get3A_147] : memref<1x640xf32, #tpu.memory_space<vmem>>, vector<1x640xf32>
    %add3A_149 = vector.broadcast %get3A_148 : vector<1x640xf32> to vector<256x640xf32>
    %add3A_150 = arith.addf %dot_general3A_145, %add3A_149 : vector<256x640xf32>
    %slice3A_151 = vector.extract_strided_slice %add3A_150 {offsets = [0, 0], sizes = [256, 320], strides = [1, 1]} : vector<256x640xf32> to vector<256x320xf32>
    %reduce_max3A_152 = arith.constant dense<0xFF800000> : vector<256xf32>
    %reduce_max3A_153 = vector.multi_reduction <maximumf>, %slice3A_151, %reduce_max3A_152 [1] : vector<256x320xf32> to vector<256xf32>
    %broadcast_in_dim3A_154 = vector.shape_cast %reduce_max3A_153 : vector<256xf32> to vector<256x1xf32>
    %eq3A_155 = vector.broadcast %broadcast_in_dim3A_154 : vector<256x1xf32> to vector<256x320xf32>
    %eq3A_156 = arith.cmpf oeq, %slice3A_151, %eq3A_155 : vector<256x320xf32>
    %jit3A_157 = arith.constant 320 : i32
    %broadcast_in_dim3A_158 = vector.broadcast %jit3A_157 : i32 to vector<256x320xi32>
    %select_n3A_159 = arith.select %eq3A_156, %iota3A, %broadcast_in_dim3A_158 : vector<256x320xi1>, vector<256x320xi32>
    %reduce_min3A_160 = arith.constant dense<2147483647> : vector<256xi32>
    %reduce_min3A_161 = vector.multi_reduction <minsi>, %select_n3A_159, %reduce_min3A_160 [1] : vector<256x320xi32> to vector<256xi32>
    %broadcast_in_dim3A_162 = vector.shape_cast %reduce_min3A_161 : vector<256xi32> to vector<256x1xi32>
    %sub3A_163 = vector.broadcast %broadcast_in_dim3A_154 : vector<256x1xf32> to vector<256x320xf32>
    %sub3A_164 = arith.subf %slice3A_151, %sub3A_163 : vector<256x320xf32>
    %exp3A_165 = math.exp %sub3A_164 : vector<256x320xf32>
    %reduce_sum3A_166 = arith.constant dense<0.000000e+00> : vector<256xf32>
    %reduce_sum3A_167 = vector.multi_reduction <add>, %exp3A_165, %reduce_sum3A_166 [1] : vector<256x320xf32> to vector<256xf32>
    %broadcast_in_dim3A_168 = vector.shape_cast %reduce_sum3A_167 : vector<256xf32> to vector<256x1xf32>
    %get3A_169 = arith.constant 0 : index
    %get3A_170 = arith.constant 0 : index
    %get3A_171 = vector.load %arg9[%get3A_169, %get3A_170] : memref<1x320xf32, #tpu.memory_space<vmem>>, vector<1x320xf32>
    %div3A_172 = vector.broadcast %broadcast_in_dim3A_168 : vector<256x1xf32> to vector<256x320xf32>
    %div3A_173 = arith.divf %exp3A_165, %div3A_172 : vector<256x320xf32>
    %reduce_sum3A_174 = arith.constant dense<0.000000e+00> : vector<320xf32>
    %reduce_sum3A_175 = vector.multi_reduction <add>, %div3A_173, %reduce_sum3A_174 [0] : vector<256x320xf32> to vector<320xf32>
    %broadcast_in_dim3A_176 = vector.shape_cast %reduce_sum3A_175 : vector<320xf32> to vector<1x320xf32>
    %add3A_177 = arith.addf %get3A_171, %broadcast_in_dim3A_176 : vector<1x320xf32>
    %swap3A_178 = arith.constant 0 : index
    %swap3A_179 = arith.constant 0 : index
    %swap3A_180 = vector.load %arg9[%swap3A_178, %swap3A_179] : memref<1x320xf32, #tpu.memory_space<vmem>>, vector<1x320xf32>
    tpu.vector_store %arg9[%swap3A_178, %swap3A_179], %add3A_177 {strides = array<i32>} : memref<1x320xf32, #tpu.memory_space<vmem>>, vector<1x320xf32>,
    %get3A_181 = arith.constant 0 : index
    %get3A_182 = arith.constant 0 : index
    %get3A_183 = vector.load %arg11[%get3A_181, %get3A_182] : memref<1x320xf32, #tpu.memory_space<vmem>>, vector<1x320xf32>
    %eq3A_184 = vector.broadcast %broadcast_in_dim3A_162 : vector<256x1xi32> to vector<256x320xi32>
    %eq3A_185 = arith.cmpi eq, %iota3A, %eq3A_184 : vector<256x320xi32>
    %convert_element_type3A_186 = arith.extui %eq3A_185 : vector<256x320xi1> to vector<256x320xi32>
    %convert_element_type3A_187 = arith.sitofp %convert_element_type3A_186 : vector<256x320xi32> to vector<256x320xf32>
    %reduce_sum3A_188 = arith.constant dense<0.000000e+00> : vector<320xf32>
    %reduce_sum3A_189 = vector.multi_reduction <add>, %convert_element_type3A_187, %reduce_sum3A_188 [0] : vector<256x320xf32> to vector<320xf32>
    %broadcast_in_dim3A_190 = vector.shape_cast %reduce_sum3A_189 : vector<320xf32> to vector<1x320xf32>
    %add3A_191 = arith.addf %get3A_183, %broadcast_in_dim3A_190 : vector<1x320xf32>
    %swap3A_192 = arith.constant 0 : index
    %swap3A_193 = arith.constant 0 : index
    %swap3A_194 = vector.load %arg11[%swap3A_192, %swap3A_193] : memref<1x320xf32, #tpu.memory_space<vmem>>, vector<1x320xf32>
    tpu.vector_store %arg11[%swap3A_192, %swap3A_193], %add3A_191 {strides = array<i32>} : memref<1x320xf32, #tpu.memory_space<vmem>>, vector<1x320xf32>,
    %add3A_195 = arith.constant 0 : i32
    %add3A_196 = vector.broadcast %add3A_195 : i32 to vector<256x1xi32>
    %add3A_197 = arith.addi %broadcast_in_dim3A_162, %add3A_196 : vector<256x1xi32>
    %slice3A_198 = vector.extract_strided_slice %add3A_150 {offsets = [0, 320], sizes = [256, 320], strides = [1, 1]} : vector<256x640xf32> to vector<256x320xf32>
    %reduce_max3A_199 = arith.constant dense<0xFF800000> : vector<256xf32>
    %reduce_max3A_200 = vector.multi_reduction <maximumf>, %slice3A_198, %reduce_max3A_199 [1] : vector<256x320xf32> to vector<256xf32>
    %broadcast_in_dim3A_201 = vector.shape_cast %reduce_max3A_200 : vector<256xf32> to vector<256x1xf32>
    %eq3A_202 = vector.broadcast %broadcast_in_dim3A_201 : vector<256x1xf32> to vector<256x320xf32>
    %eq3A_203 = arith.cmpf oeq, %slice3A_198, %eq3A_202 : vector<256x320xf32>
    %jit3A_204 = arith.constant 320 : i32
    %broadcast_in_dim3A_205 = vector.broadcast %jit3A_204 : i32 to vector<256x320xi32>
    %select_n3A_206 = arith.select %eq3A_203, %iota3A, %broadcast_in_dim3A_205 : vector<256x320xi1>, vector<256x320xi32>
    %reduce_min3A_207 = arith.constant dense<2147483647> : vector<256xi32>
    %reduce_min3A_208 = vector.multi_reduction <minsi>, %select_n3A_206, %reduce_min3A_207 [1] : vector<256x320xi32> to vector<256xi32>
    %broadcast_in_dim3A_209 = vector.shape_cast %reduce_min3A_208 : vector<256xi32> to vector<256x1xi32>
    %sub3A_210 = vector.broadcast %broadcast_in_dim3A_201 : vector<256x1xf32> to vector<256x320xf32>
    %sub3A_211 = arith.subf %slice3A_198, %sub3A_210 : vector<256x320xf32>
    %exp3A_212 = math.exp %sub3A_211 : vector<256x320xf32>
    %reduce_sum3A_213 = arith.constant dense<0.000000e+00> : vector<256xf32>
    %reduce_sum3A_214 = vector.multi_reduction <add>, %exp3A_212, %reduce_sum3A_213 [1] : vector<256x320xf32> to vector<256xf32>
    %broadcast_in_dim3A_215 = vector.shape_cast %reduce_sum3A_214 : vector<256xf32> to vector<256x1xf32>
    %get3A_216 = arith.constant 0 : index
    %get3A_217 = arith.constant 0 : index
    %get3A_218 = vector.load %arg10[%get3A_216, %get3A_217] : memref<1x320xf32, #tpu.memory_space<vmem>>, vector<1x320xf32>
    %div3A_219 = vector.broadcast %broadcast_in_dim3A_215 : vector<256x1xf32> to vector<256x320xf32>
    %div3A_220 = arith.divf %exp3A_212, %div3A_219 : vector<256x320xf32>
    %reduce_sum3A_221 = arith.constant dense<0.000000e+00> : vector<320xf32>
    %reduce_sum3A_222 = vector.multi_reduction <add>, %div3A_220, %reduce_sum3A_221 [0] : vector<256x320xf32> to vector<320xf32>
    %broadcast_in_dim3A_223 = vector.shape_cast %reduce_sum3A_222 : vector<320xf32> to vector<1x320xf32>
    %add3A_224 = arith.addf %get3A_218, %broadcast_in_dim3A_223 : vector<1x320xf32>
    %swap3A_225 = arith.constant 0 : index
    %swap3A_226 = arith.constant 0 : index
    %swap3A_227 = vector.load %arg10[%swap3A_225, %swap3A_226] : memref<1x320xf32, #tpu.memory_space<vmem>>, vector<1x320xf32>
    tpu.vector_store %arg10[%swap3A_225, %swap3A_226], %add3A_224 {strides = array<i32>} : memref<1x320xf32, #tpu.memory_space<vmem>>, vector<1x320xf32>,
    %get3A_228 = arith.constant 0 : index
    %get3A_229 = arith.constant 0 : index
    %get3A_230 = vector.load %arg12[%get3A_228, %get3A_229] : memref<1x320xf32, #tpu.memory_space<vmem>>, vector<1x320xf32>
    %eq3A_231 = vector.broadcast %broadcast_in_dim3A_209 : vector<256x1xi32> to vector<256x320xi32>
    %eq3A_232 = arith.cmpi eq, %iota3A, %eq3A_231 : vector<256x320xi32>
    %convert_element_type3A_233 = arith.extui %eq3A_232 : vector<256x320xi1> to vector<256x320xi32>
    %convert_element_type3A_234 = arith.sitofp %convert_element_type3A_233 : vector<256x320xi32> to vector<256x320xf32>
    %reduce_sum3A_235 = arith.constant dense<0.000000e+00> : vector<320xf32>
    %reduce_sum3A_236 = vector.multi_reduction <add>, %convert_element_type3A_234, %reduce_sum3A_235 [0] : vector<256x320xf32> to vector<320xf32>
    %broadcast_in_dim3A_237 = vector.shape_cast %reduce_sum3A_236 : vector<320xf32> to vector<1x320xf32>
    %add3A_238 = arith.addf %get3A_230, %broadcast_in_dim3A_237 : vector<1x320xf32>
    %swap3A_239 = arith.constant 0 : index
    %swap3A_240 = arith.constant 0 : index
    %swap3A_241 = vector.load %arg12[%swap3A_239, %swap3A_240] : memref<1x320xf32, #tpu.memory_space<vmem>>, vector<1x320xf32>
    tpu.vector_store %arg12[%swap3A_239, %swap3A_240], %add3A_238 {strides = array<i32>} : memref<1x320xf32, #tpu.memory_space<vmem>>, vector<1x320xf32>,
    %add3A_242 = arith.constant 320 : i32
    %add3A_243 = vector.broadcast %add3A_242 : i32 to vector<256x1xi32>
    %add3A_244 = arith.addi %broadcast_in_dim3A_209, %add3A_243 : vector<256x1xi32>
    %concatenate3A_245 = tpu.concatenate %add3A_197, %add3A_244 in 1 : vector<256x1xi32>, vector<256x1xi32> -> vector<256x2xi32>
    %swap3A_246 = arith.constant 256 : index
    %swap3A_247 = arith.constant 0 : index
    %swap3A_248 = vector.load %arg6[%swap3A_246, %swap3A_247] : memref<1024x2xi32, #tpu.memory_space<vmem>>, vector<256x2xi32>
    tpu.vector_store %arg6[%swap3A_246, %swap3A_247], %concatenate3A_245 {strides = array<i32>} : memref<1024x2xi32, #tpu.memory_space<vmem>>, vector<256x2xi32>,
    %get3A_249 = arith.constant 512 : index
    %get3A_250 = arith.constant 0 : index
    %get3A_251 = vector.load %arg1[%get3A_249, %get3A_250] : memref<1024x1024xf32, #tpu.memory_space<vmem>>, vector<256x1024xf32>
    %get3A_252 = arith.constant 0 : index
    %get3A_253 = arith.constant 0 : index
    %get3A_254 = vector.load %arg2[%get3A_252, %get3A_253] : memref<1024x2048xf32, #tpu.memory_space<vmem>>, vector<1024x2048xf32>
    %dot_general3A_255 = arith.constant dense<0.000000e+00> : vector<256x2048xf32>
    %dot_general3A_256 = tpu.matmul %get3A_251, %get3A_254, %dot_general3A_255 {dimension_numbers = #tpu.dot_dimension_numbers<[1], [0], [0], [1], [0, 0, 1, 1], [], []>, transpose_lhs_hint = false} : vector<256x1024xf32>, vector<1024x2048xf32>, vector<256x2048xf32> -> vector<256x2048xf32>
    %get3A_257 = arith.constant 0 : index
    %get3A_258 = arith.constant 0 : index
    %get3A_259 = vector.load %arg3[%get3A_257, %get3A_258] : memref<1x2048xf32, #tpu.memory_space<vmem>>, vector<1x2048xf32>
    %add3A_260 = vector.broadcast %get3A_259 : vector<1x2048xf32> to vector<256x2048xf32>
    %add3A_261 = arith.addf %dot_general3A_256, %add3A_260 : vector<256x2048xf32>
    %mul3A_262 = arith.constant 5.000000e-01 : f32
    %mul3A_263 = vector.broadcast %mul3A_262 : f32 to vector<256x2048xf32>
    %mul3A_264 = arith.mulf %add3A_261, %mul3A_263 : vector<256x2048xf32>
    %mul3A_265 = arith.constant 0.707106769 : f32
    %mul3A_266 = vector.broadcast %mul3A_265 : f32 to vector<256x2048xf32>
    %mul3A_267 = arith.mulf %add3A_261, %mul3A_266 : vector<256x2048xf32>
    %erf3A_268 = math.erf %mul3A_267 : vector<256x2048xf32>
    %add3A_269 = arith.constant 1.000000e+00 : f32
    %add3A_270 = vector.broadcast %add3A_269 : f32 to vector<256x2048xf32>
    %add3A_271 = arith.addf %erf3A_268, %add3A_270 : vector<256x2048xf32>
    %mul3A_272 = arith.mulf %mul3A_264, %add3A_271 : vector<256x2048xf32>
    %get3A_273 = arith.constant 0 : index
    %get3A_274 = arith.constant 0 : index
    %get3A_275 = vector.load %arg4[%get3A_273, %get3A_274] : memref<2048x640xf32, #tpu.memory_space<vmem>>, vector<2048x640xf32>
    %dot_general3A_276 = arith.constant dense<0.000000e+00> : vector<256x640xf32>
    %dot_general3A_277 = tpu.matmul %mul3A_272, %get3A_275, %dot_general3A_276 {dimension_numbers = #tpu.dot_dimension_numbers<[1], [0], [0], [1], [0, 0, 1, 1], [], []>, transpose_lhs_hint = false} : vector<256x2048xf32>, vector<2048x640xf32>, vector<256x640xf32> -> vector<256x640xf32>
    %get3A_278 = arith.constant 0 : index
    %get3A_279 = arith.constant 0 : index
    %get3A_280 = vector.load %arg5[%get3A_278, %get3A_279] : memref<1x640xf32, #tpu.memory_space<vmem>>, vector<1x640xf32>
    %add3A_281 = vector.broadcast %get3A_280 : vector<1x640xf32> to vector<256x640xf32>
    %add3A_282 = arith.addf %dot_general3A_277, %add3A_281 : vector<256x640xf32>
    %slice3A_283 = vector.extract_strided_slice %add3A_282 {offsets = [0, 0], sizes = [256, 320], strides = [1, 1]} : vector<256x640xf32> to vector<256x320xf32>
    %reduce_max3A_284 = arith.constant dense<0xFF800000> : vector<256xf32>
    %reduce_max3A_285 = vector.multi_reduction <maximumf>, %slice3A_283, %reduce_max3A_284 [1] : vector<256x320xf32> to vector<256xf32>
    %broadcast_in_dim3A_286 = vector.shape_cast %reduce_max3A_285 : vector<256xf32> to vector<256x1xf32>
    %eq3A_287 = vector.broadcast %broadcast_in_dim3A_286 : vector<256x1xf32> to vector<256x320xf32>
    %eq3A_288 = arith.cmpf oeq, %slice3A_283, %eq3A_287 : vector<256x320xf32>
    %jit3A_289 = arith.constant 320 : i32
    %broadcast_in_dim3A_290 = vector.broadcast %jit3A_289 : i32 to vector<256x320xi32>
    %select_n3A_291 = arith.select %eq3A_288, %iota3A, %broadcast_in_dim3A_290 : vector<256x320xi1>, vector<256x320xi32>
    %reduce_min3A_292 = arith.constant dense<2147483647> : vector<256xi32>
    %reduce_min3A_293 = vector.multi_reduction <minsi>, %select_n3A_291, %reduce_min3A_292 [1] : vector<256x320xi32> to vector<256xi32>
    %broadcast_in_dim3A_294 = vector.shape_cast %reduce_min3A_293 : vector<256xi32> to vector<256x1xi32>
    %sub3A_295 = vector.broadcast %broadcast_in_dim3A_286 : vector<256x1xf32> to vector<256x320xf32>
    %sub3A_296 = arith.subf %slice3A_283, %sub3A_295 : vector<256x320xf32>
    %exp3A_297 = math.exp %sub3A_296 : vector<256x320xf32>
    %reduce_sum3A_298 = arith.constant dense<0.000000e+00> : vector<256xf32>
    %reduce_sum3A_299 = vector.multi_reduction <add>, %exp3A_297, %reduce_sum3A_298 [1] : vector<256x320xf32> to vector<256xf32>
    %broadcast_in_dim3A_300 = vector.shape_cast %reduce_sum3A_299 : vector<256xf32> to vector<256x1xf32>
    %get3A_301 = arith.constant 0 : index
    %get3A_302 = arith.constant 0 : index
    %get3A_303 = vector.load %arg9[%get3A_301, %get3A_302] : memref<1x320xf32, #tpu.memory_space<vmem>>, vector<1x320xf32>
    %div3A_304 = vector.broadcast %broadcast_in_dim3A_300 : vector<256x1xf32> to vector<256x320xf32>
    %div3A_305 = arith.divf %exp3A_297, %div3A_304 : vector<256x320xf32>
    %reduce_sum3A_306 = arith.constant dense<0.000000e+00> : vector<320xf32>
    %reduce_sum3A_307 = vector.multi_reduction <add>, %div3A_305, %reduce_sum3A_306 [0] : vector<256x320xf32> to vector<320xf32>
    %broadcast_in_dim3A_308 = vector.shape_cast %reduce_sum3A_307 : vector<320xf32> to vector<1x320xf32>
    %add3A_309 = arith.addf %get3A_303, %broadcast_in_dim3A_308 : vector<1x320xf32>
    %swap3A_310 = arith.constant 0 : index
    %swap3A_311 = arith.constant 0 : index
    %swap3A_312 = vector.load %arg9[%swap3A_310, %swap3A_311] : memref<1x320xf32, #tpu.memory_space<vmem>>, vector<1x320xf32>
    tpu.vector_store %arg9[%swap3A_310, %swap3A_311], %add3A_309 {strides = array<i32>} : memref<1x320xf32, #tpu.memory_space<vmem>>, vector<1x320xf32>,
    %get3A_313 = arith.constant 0 : index
    %get3A_314 = arith.constant 0 : index
    %get3A_315 = vector.load %arg11[%get3A_313, %get3A_314] : memref<1x320xf32, #tpu.memory_space<vmem>>, vector<1x320xf32>
    %eq3A_316 = vector.broadcast %broadcast_in_dim3A_294 : vector<256x1xi32> to vector<256x320xi32>
    %eq3A_317 = arith.cmpi eq, %iota3A, %eq3A_316 : vector<256x320xi32>
    %convert_element_type3A_318 = arith.extui %eq3A_317 : vector<256x320xi1> to vector<256x320xi32>
    %convert_element_type3A_319 = arith.sitofp %convert_element_type3A_318 : vector<256x320xi32> to vector<256x320xf32>
    %reduce_sum3A_320 = arith.constant dense<0.000000e+00> : vector<320xf32>
    %reduce_sum3A_321 = vector.multi_reduction <add>, %convert_element_type3A_319, %reduce_sum3A_320 [0] : vector<256x320xf32> to vector<320xf32>
    %broadcast_in_dim3A_322 = vector.shape_cast %reduce_sum3A_321 : vector<320xf32> to vector<1x320xf32>
    %add3A_323 = arith.addf %get3A_315, %broadcast_in_dim3A_322 : vector<1x320xf32>
    %swap3A_324 = arith.constant 0 : index
    %swap3A_325 = arith.constant 0 : index
    %swap3A_326 = vector.load %arg11[%swap3A_324, %swap3A_325] : memref<1x320xf32, #tpu.memory_space<vmem>>, vector<1x320xf32>
    tpu.vector_store %arg11[%swap3A_324, %swap3A_325], %add3A_323 {strides = array<i32>} : memref<1x320xf32, #tpu.memory_space<vmem>>, vector<1x320xf32>,
    %add3A_327 = arith.constant 0 : i32
    %add3A_328 = vector.broadcast %add3A_327 : i32 to vector<256x1xi32>
    %add3A_329 = arith.addi %broadcast_in_dim3A_294, %add3A_328 : vector<256x1xi32>
    %slice3A_330 = vector.extract_strided_slice %add3A_282 {offsets = [0, 320], sizes = [256, 320], strides = [1, 1]} : vector<256x640xf32> to vector<256x320xf32>
    %reduce_max3A_331 = arith.constant dense<0xFF800000> : vector<256xf32>
    %reduce_max3A_332 = vector.multi_reduction <maximumf>, %slice3A_330, %reduce_max3A_331 [1] : vector<256x320xf32> to vector<256xf32>
    %broadcast_in_dim3A_333 = vector.shape_cast %reduce_max3A_332 : vector<256xf32> to vector<256x1xf32>
    %eq3A_334 = vector.broadcast %broadcast_in_dim3A_333 : vector<256x1xf32> to vector<256x320xf32>
    %eq3A_335 = arith.cmpf oeq, %slice3A_330, %eq3A_334 : vector<256x320xf32>
    %jit3A_336 = arith.constant 320 : i32
    %broadcast_in_dim3A_337 = vector.broadcast %jit3A_336 : i32 to vector<256x320xi32>
    %select_n3A_338 = arith.select %eq3A_335, %iota3A, %broadcast_in_dim3A_337 : vector<256x320xi1>, vector<256x320xi32>
    %reduce_min3A_339 = arith.constant dense<2147483647> : vector<256xi32>
    %reduce_min3A_340 = vector.multi_reduction <minsi>, %select_n3A_338, %reduce_min3A_339 [1] : vector<256x320xi32> to vector<256xi32>
    %broadcast_in_dim3A_341 = vector.shape_cast %reduce_min3A_340 : vector<256xi32> to vector<256x1xi32>
    %sub3A_342 = vector.broadcast %broadcast_in_dim3A_333 : vector<256x1xf32> to vector<256x320xf32>
    %sub3A_343 = arith.subf %slice3A_330, %sub3A_342 : vector<256x320xf32>
    %exp3A_344 = math.exp %sub3A_343 : vector<256x320xf32>
    %reduce_sum3A_345 = arith.constant dense<0.000000e+00> : vector<256xf32>
    %reduce_sum3A_346 = vector.multi_reduction <add>, %exp3A_344, %reduce_sum3A_345 [1] : vector<256x320xf32> to vector<256xf32>
    %broadcast_in_dim3A_347 = vector.shape_cast %reduce_sum3A_346 : vector<256xf32> to vector<256x1xf32>
    %get3A_348 = arith.constant 0 : index
    %get3A_349 = arith.constant 0 : index
    %get3A_350 = vector.load %arg10[%get3A_348, %get3A_349] : memref<1x320xf32, #tpu.memory_space<vmem>>, vector<1x320xf32>
    %div3A_351 = vector.broadcast %broadcast_in_dim3A_347 : vector<256x1xf32> to vector<256x320xf32>
    %div3A_352 = arith.divf %exp3A_344, %div3A_351 : vector<256x320xf32>
    %reduce_sum3A_353 = arith.constant dense<0.000000e+00> : vector<320xf32>
    %reduce_sum3A_354 = vector.multi_reduction <add>, %div3A_352, %reduce_sum3A_353 [0] : vector<256x320xf32> to vector<320xf32>
    %broadcast_in_dim3A_355 = vector.shape_cast %reduce_sum3A_354 : vector<320xf32> to vector<1x320xf32>
    %add3A_356 = arith.addf %get3A_350, %broadcast_in_dim3A_355 : vector<1x320xf32>
    %swap3A_357 = arith.constant 0 : index
    %swap3A_358 = arith.constant 0 : index
    %swap3A_359 = vector.load %arg10[%swap3A_357, %swap3A_358] : memref<1x320xf32, #tpu.memory_space<vmem>>, vector<1x320xf32>
    tpu.vector_store %arg10[%swap3A_357, %swap3A_358], %add3A_356 {strides = array<i32>} : memref<1x320xf32, #tpu.memory_space<vmem>>, vector<1x320xf32>,
    %get3A_360 = arith.constant 0 : index
    %get3A_361 = arith.constant 0 : index
    %get3A_362 = vector.load %arg12[%get3A_360, %get3A_361] : memref<1x320xf32, #tpu.memory_space<vmem>>, vector<1x320xf32>
    %eq3A_363 = vector.broadcast %broadcast_in_dim3A_341 : vector<256x1xi32> to vector<256x320xi32>
    %eq3A_364 = arith.cmpi eq, %iota3A, %eq3A_363 : vector<256x320xi32>
    %convert_element_type3A_365 = arith.extui %eq3A_364 : vector<256x320xi1> to vector<256x320xi32>
    %convert_element_type3A_366 = arith.sitofp %convert_element_type3A_365 : vector<256x320xi32> to vector<256x320xf32>
    %reduce_sum3A_367 = arith.constant dense<0.000000e+00> : vector<320xf32>
    %reduce_sum3A_368 = vector.multi_reduction <add>, %convert_element_type3A_366, %reduce_sum3A_367 [0] : vector<256x320xf32> to vector<320xf32>
    %broadcast_in_dim3A_369 = vector.shape_cast %reduce_sum3A_368 : vector<320xf32> to vector<1x320xf32>
    %add3A_370 = arith.addf %get3A_362, %broadcast_in_dim3A_369 : vector<1x320xf32>
    %swap3A_371 = arith.constant 0 : index
    %swap3A_372 = arith.constant 0 : index
    %swap3A_373 = vector.load %arg12[%swap3A_371, %swap3A_372] : memref<1x320xf32, #tpu.memory_space<vmem>>, vector<1x320xf32>
    tpu.vector_store %arg12[%swap3A_371, %swap3A_372], %add3A_370 {strides = array<i32>} : memref<1x320xf32, #tpu.memory_space<vmem>>, vector<1x320xf32>,
    %add3A_374 = arith.constant 320 : i32
    %add3A_375 = vector.broadcast %add3A_374 : i32 to vector<256x1xi32>
    %add3A_376 = arith.addi %broadcast_in_dim3A_341, %add3A_375 : vector<256x1xi32>
    %concatenate3A_377 = tpu.concatenate %add3A_329, %add3A_376 in 1 : vector<256x1xi32>, vector<256x1xi32> -> vector<256x2xi32>
    %swap3A_378 = arith.constant 512 : index
    %swap3A_379 = arith.constant 0 : index
    %swap3A_380 = vector.load %arg6[%swap3A_378, %swap3A_379] : memref<1024x2xi32, #tpu.memory_space<vmem>>, vector<256x2xi32>
    tpu.vector_store %arg6[%swap3A_378, %swap3A_379], %concatenate3A_377 {strides = array<i32>} : memref<1024x2xi32, #tpu.memory_space<vmem>>, vector<256x2xi32>,
    %get3A_381 = arith.constant 768 : index
    %get3A_382 = arith.constant 0 : index
    %get3A_383 = vector.load %arg1[%get3A_381, %get3A_382] : memref<1024x1024xf32, #tpu.memory_space<vmem>>, vector<256x1024xf32>
    %get3A_384 = arith.constant 0 : index
    %get3A_385 = arith.constant 0 : index
    %get3A_386 = vector.load %arg2[%get3A_384, %get3A_385] : memref<1024x2048xf32, #tpu.memory_space<vmem>>, vector<1024x2048xf32>
    %dot_general3A_387 = arith.constant dense<0.000000e+00> : vector<256x2048xf32>
    %dot_general3A_388 = tpu.matmul %get3A_383, %get3A_386, %dot_general3A_387 {dimension_numbers = #tpu.dot_dimension_numbers<[1], [0], [0], [1], [0, 0, 1, 1], [], []>, transpose_lhs_hint = false} : vector<256x1024xf32>, vector<1024x2048xf32>, vector<256x2048xf32> -> vector<256x2048xf32>
    %get3A_389 = arith.constant 0 : index
    %get3A_390 = arith.constant 0 : index
    %get3A_391 = vector.load %arg3[%get3A_389, %get3A_390] : memref<1x2048xf32, #tpu.memory_space<vmem>>, vector<1x2048xf32>
    %add3A_392 = vector.broadcast %get3A_391 : vector<1x2048xf32> to vector<256x2048xf32>
    %add3A_393 = arith.addf %dot_general3A_388, %add3A_392 : vector<256x2048xf32>
    %mul3A_394 = arith.constant 5.000000e-01 : f32
    %mul3A_395 = vector.broadcast %mul3A_394 : f32 to vector<256x2048xf32>
    %mul3A_396 = arith.mulf %add3A_393, %mul3A_395 : vector<256x2048xf32>
    %mul3A_397 = arith.constant 0.707106769 : f32
    %mul3A_398 = vector.broadcast %mul3A_397 : f32 to vector<256x2048xf32>
    %mul3A_399 = arith.mulf %add3A_393, %mul3A_398 : vector<256x2048xf32>
    %erf3A_400 = math.erf %mul3A_399 : vector<256x2048xf32>
    %add3A_401 = arith.constant 1.000000e+00 : f32
    %add3A_402 = vector.broadcast %add3A_401 : f32 to vector<256x2048xf32>
    %add3A_403 = arith.addf %erf3A_400, %add3A_402 : vector<256x2048xf32>
    %mul3A_404 = arith.mulf %mul3A_396, %add3A_403 : vector<256x2048xf32>
    %get3A_405 = arith.constant 0 : index
    %get3A_406 = arith.constant 0 : index
    %get3A_407 = vector.load %arg4[%get3A_405, %get3A_406] : memref<2048x640xf32, #tpu.memory_space<vmem>>, vector<2048x640xf32>
    %dot_general3A_408 = arith.constant dense<0.000000e+00> : vector<256x640xf32>
    %dot_general3A_409 = tpu.matmul %mul3A_404, %get3A_407, %dot_general3A_408 {dimension_numbers = #tpu.dot_dimension_numbers<[1], [0], [0], [1], [0, 0, 1, 1], [], []>, transpose_lhs_hint = false} : vector<256x2048xf32>, vector<2048x640xf32>, vector<256x640xf32> -> vector<256x640xf32>
    %get3A_410 = arith.constant 0 : index
    %get3A_411 = arith.constant 0 : index
    %get3A_412 = vector.load %arg5[%get3A_410, %get3A_411] : memref<1x640xf32, #tpu.memory_space<vmem>>, vector<1x640xf32>
    %add3A_413 = vector.broadcast %get3A_412 : vector<1x640xf32> to vector<256x640xf32>
    %add3A_414 = arith.addf %dot_general3A_409, %add3A_413 : vector<256x640xf32>
    %slice3A_415 = vector.extract_strided_slice %add3A_414 {offsets = [0, 0], sizes = [256, 320], strides = [1, 1]} : vector<256x640xf32> to vector<256x320xf32>
    %reduce_max3A_416 = arith.constant dense<0xFF800000> : vector<256xf32>
    %reduce_max3A_417 = vector.multi_reduction <maximumf>, %slice3A_415, %reduce_max3A_416 [1] : vector<256x320xf32> to vector<256xf32>
    %broadcast_in_dim3A_418 = vector.shape_cast %reduce_max3A_417 : vector<256xf32> to vector<256x1xf32>
    %eq3A_419 = vector.broadcast %broadcast_in_dim3A_418 : vector<256x1xf32> to vector<256x320xf32>
    %eq3A_420 = arith.cmpf oeq, %slice3A_415, %eq3A_419 : vector<256x320xf32>
    %jit3A_421 = arith.constant 320 : i32
    %broadcast_in_dim3A_422 = vector.broadcast %jit3A_421 : i32 to vector<256x320xi32>
    %select_n3A_423 = arith.select %eq3A_420, %iota3A, %broadcast_in_dim3A_422 : vector<256x320xi1>, vector<256x320xi32>
    %reduce_min3A_424 = arith.constant dense<2147483647> : vector<256xi32>
    %reduce_min3A_425 = vector.multi_reduction <minsi>, %select_n3A_423, %reduce_min3A_424 [1] : vector<256x320xi32> to vector<256xi32>
    %broadcast_in_dim3A_426 = vector.shape_cast %reduce_min3A_425 : vector<256xi32> to vector<256x1xi32>
    %sub3A_427 = vector.broadcast %broadcast_in_dim3A_418 : vector<256x1xf32> to vector<256x320xf32>
    %sub3A_428 = arith.subf %slice3A_415, %sub3A_427 : vector<256x320xf32>
    %exp3A_429 = math.exp %sub3A_428 : vector<256x320xf32>
    %reduce_sum3A_430 = arith.constant dense<0.000000e+00> : vector<256xf32>
    %reduce_sum3A_431 = vector.multi_reduction <add>, %exp3A_429, %reduce_sum3A_430 [1] : vector<256x320xf32> to vector<256xf32>
    %broadcast_in_dim3A_432 = vector.shape_cast %reduce_sum3A_431 : vector<256xf32> to vector<256x1xf32>
    %get3A_433 = arith.constant 0 : index
    %get3A_434 = arith.constant 0 : index
    %get3A_435 = vector.load %arg9[%get3A_433, %get3A_434] : memref<1x320xf32, #tpu.memory_space<vmem>>, vector<1x320xf32>
    %div3A_436 = vector.broadcast %broadcast_in_dim3A_432 : vector<256x1xf32> to vector<256x320xf32>
    %div3A_437 = arith.divf %exp3A_429, %div3A_436 : vector<256x320xf32>
    %reduce_sum3A_438 = arith.constant dense<0.000000e+00> : vector<320xf32>
    %reduce_sum3A_439 = vector.multi_reduction <add>, %div3A_437, %reduce_sum3A_438 [0] : vector<256x320xf32> to vector<320xf32>
    %broadcast_in_dim3A_440 = vector.shape_cast %reduce_sum3A_439 : vector<320xf32> to vector<1x320xf32>
    %add3A_441 = arith.addf %get3A_435, %broadcast_in_dim3A_440 : vector<1x320xf32>
    %swap3A_442 = arith.constant 0 : index
    %swap3A_443 = arith.constant 0 : index
    %swap3A_444 = vector.load %arg9[%swap3A_442, %swap3A_443] : memref<1x320xf32, #tpu.memory_space<vmem>>, vector<1x320xf32>
    tpu.vector_store %arg9[%swap3A_442, %swap3A_443], %add3A_441 {strides = array<i32>} : memref<1x320xf32, #tpu.memory_space<vmem>>, vector<1x320xf32>,
    %get3A_445 = arith.constant 0 : index
    %get3A_446 = arith.constant 0 : index
    %get3A_447 = vector.load %arg11[%get3A_445, %get3A_446] : memref<1x320xf32, #tpu.memory_space<vmem>>, vector<1x320xf32>
    %eq3A_448 = vector.broadcast %broadcast_in_dim3A_426 : vector<256x1xi32> to vector<256x320xi32>
    %eq3A_449 = arith.cmpi eq, %iota3A, %eq3A_448 : vector<256x320xi32>
    %convert_element_type3A_450 = arith.extui %eq3A_449 : vector<256x320xi1> to vector<256x320xi32>
    %convert_element_type3A_451 = arith.sitofp %convert_element_type3A_450 : vector<256x320xi32> to vector<256x320xf32>
    %reduce_sum3A_452 = arith.constant dense<0.000000e+00> : vector<320xf32>
    %reduce_sum3A_453 = vector.multi_reduction <add>, %convert_element_type3A_451, %reduce_sum3A_452 [0] : vector<256x320xf32> to vector<320xf32>
    %broadcast_in_dim3A_454 = vector.shape_cast %reduce_sum3A_453 : vector<320xf32> to vector<1x320xf32>
    %add3A_455 = arith.addf %get3A_447, %broadcast_in_dim3A_454 : vector<1x320xf32>
    %swap3A_456 = arith.constant 0 : index
    %swap3A_457 = arith.constant 0 : index
    %swap3A_458 = vector.load %arg11[%swap3A_456, %swap3A_457] : memref<1x320xf32, #tpu.memory_space<vmem>>, vector<1x320xf32>
    tpu.vector_store %arg11[%swap3A_456, %swap3A_457], %add3A_455 {strides = array<i32>} : memref<1x320xf32, #tpu.memory_space<vmem>>, vector<1x320xf32>,
    %add3A_459 = arith.constant 0 : i32
    %add3A_460 = vector.broadcast %add3A_459 : i32 to vector<256x1xi32>
    %add3A_461 = arith.addi %broadcast_in_dim3A_426, %add3A_460 : vector<256x1xi32>
    %slice3A_462 = vector.extract_strided_slice %add3A_414 {offsets = [0, 320], sizes = [256, 320], strides = [1, 1]} : vector<256x640xf32> to vector<256x320xf32>
    %reduce_max3A_463 = arith.constant dense<0xFF800000> : vector<256xf32>
    %reduce_max3A_464 = vector.multi_reduction <maximumf>, %slice3A_462, %reduce_max3A_463 [1] : vector<256x320xf32> to vector<256xf32>
    %broadcast_in_dim3A_465 = vector.shape_cast %reduce_max3A_464 : vector<256xf32> to vector<256x1xf32>
    %eq3A_466 = vector.broadcast %broadcast_in_dim3A_465 : vector<256x1xf32> to vector<256x320xf32>
    %eq3A_467 = arith.cmpf oeq, %slice3A_462, %eq3A_466 : vector<256x320xf32>
    %jit3A_468 = arith.constant 320 : i32
    %broadcast_in_dim3A_469 = vector.broadcast %jit3A_468 : i32 to vector<256x320xi32>
    %select_n3A_470 = arith.select %eq3A_467, %iota3A, %broadcast_in_dim3A_469 : vector<256x320xi1>, vector<256x320xi32>
    %reduce_min3A_471 = arith.constant dense<2147483647> : vector<256xi32>
    %reduce_min3A_472 = vector.multi_reduction <minsi>, %select_n3A_470, %reduce_min3A_471 [1] : vector<256x320xi32> to vector<256xi32>
    %broadcast_in_dim3A_473 = vector.shape_cast %reduce_min3A_472 : vector<256xi32> to vector<256x1xi32>
    %sub3A_474 = vector.broadcast %broadcast_in_dim3A_465 : vector<256x1xf32> to vector<256x320xf32>
    %sub3A_475 = arith.subf %slice3A_462, %sub3A_474 : vector<256x320xf32>
    %exp3A_476 = math.exp %sub3A_475 : vector<256x320xf32>
    %reduce_sum3A_477 = arith.constant dense<0.000000e+00> : vector<256xf32>
    %reduce_sum3A_478 = vector.multi_reduction <add>, %exp3A_476, %reduce_sum3A_477 [1] : vector<256x320xf32> to vector<256xf32>
    %broadcast_in_dim3A_479 = vector.shape_cast %reduce_sum3A_478 : vector<256xf32> to vector<256x1xf32>
    %get3A_480 = arith.constant 0 : index
    %get3A_481 = arith.constant 0 : index
    %get3A_482 = vector.load %arg10[%get3A_480, %get3A_481] : memref<1x320xf32, #tpu.memory_space<vmem>>, vector<1x320xf32>
    %div3A_483 = vector.broadcast %broadcast_in_dim3A_479 : vector<256x1xf32> to vector<256x320xf32>
    %div3A_484 = arith.divf %exp3A_476, %div3A_483 : vector<256x320xf32>
    %reduce_sum3A_485 = arith.constant dense<0.000000e+00> : vector<320xf32>
    %reduce_sum3A_486 = vector.multi_reduction <add>, %div3A_484, %reduce_sum3A_485 [0] : vector<256x320xf32> to vector<320xf32>
    %broadcast_in_dim3A_487 = vector.shape_cast %reduce_sum3A_486 : vector<320xf32> to vector<1x320xf32>
    %add3A_488 = arith.addf %get3A_482, %broadcast_in_dim3A_487 : vector<1x320xf32>
    %swap3A_489 = arith.constant 0 : index
    %swap3A_490 = arith.constant 0 : index
    %swap3A_491 = vector.load %arg10[%swap3A_489, %swap3A_490] : memref<1x320xf32, #tpu.memory_space<vmem>>, vector<1x320xf32>
    tpu.vector_store %arg10[%swap3A_489, %swap3A_490], %add3A_488 {strides = array<i32>} : memref<1x320xf32, #tpu.memory_space<vmem>>, vector<1x320xf32>,
    %get3A_492 = arith.constant 0 : index
    %get3A_493 = arith.constant 0 : index
    %get3A_494 = vector.load %arg12[%get3A_492, %get3A_493] : memref<1x320xf32, #tpu.memory_space<vmem>>, vector<1x320xf32>
    %eq3A_495 = vector.broadcast %broadcast_in_dim3A_473 : vector<256x1xi32> to vector<256x320xi32>
    %eq3A_496 = arith.cmpi eq, %iota3A, %eq3A_495 : vector<256x320xi32>
    %convert_element_type3A_497 = arith.extui %eq3A_496 : vector<256x320xi1> to vector<256x320xi32>
    %convert_element_type3A_498 = arith.sitofp %convert_element_type3A_497 : vector<256x320xi32> to vector<256x320xf32>
    %reduce_sum3A_499 = arith.constant dense<0.000000e+00> : vector<320xf32>
    %reduce_sum3A_500 = vector.multi_reduction <add>, %convert_element_type3A_498, %reduce_sum3A_499 [0] : vector<256x320xf32> to vector<320xf32>
    %broadcast_in_dim3A_501 = vector.shape_cast %reduce_sum3A_500 : vector<320xf32> to vector<1x320xf32>
    %add3A_502 = arith.addf %get3A_494, %broadcast_in_dim3A_501 : vector<1x320xf32>
    %swap3A_503 = arith.constant 0 : index
    %swap3A_504 = arith.constant 0 : index
    %swap3A_505 = vector.load %arg12[%swap3A_503, %swap3A_504] : memref<1x320xf32, #tpu.memory_space<vmem>>, vector<1x320xf32>
    tpu.vector_store %arg12[%swap3A_503, %swap3A_504], %add3A_502 {strides = array<i32>} : memref<1x320xf32, #tpu.memory_space<vmem>>, vector<1x320xf32>,
    %add3A_506 = arith.constant 320 : i32
    %add3A_507 = vector.broadcast %add3A_506 : i32 to vector<256x1xi32>
    %add3A_508 = arith.addi %broadcast_in_dim3A_473, %add3A_507 : vector<256x1xi32>
    %concatenate3A_509 = tpu.concatenate %add3A_461, %add3A_508 in 1 : vector<256x1xi32>, vector<256x1xi32> -> vector<256x2xi32>
    %swap3A_510 = arith.constant 768 : index
    %swap3A_511 = arith.constant 0 : index
    %swap3A_512 = vector.load %arg6[%swap3A_510, %swap3A_511] : memref<1024x2xi32, #tpu.memory_space<vmem>>, vector<256x2xi32>
    tpu.vector_store %arg6[%swap3A_510, %swap3A_511], %concatenate3A_509 {strides = array<i32>} : memref<1024x2xi32, #tpu.memory_space<vmem>>, vector<256x2xi32>,
    %eq3A_513 = arith.constant 3 : i32
    %eq3A_514 = arith.cmpi eq, %arg0, %eq3A_513 : i32
    %convert_element_type3A_515 = arith.extui %eq3A_514 : i1 to i32
    %cond3A_516 = arith.constant 0 : i32
    %cond3A_517 = arith.cmpi ne, %convert_element_type3A_515, %cond3A_516 : i32
    scf.if %cond3A_517 {
      %get3A_518 = arith.constant 0 : index
      %get3A_519 = arith.constant 0 : index
      %get3A_520 = vector.load %arg11[%get3A_518, %get3A_519] : memref<1x320xf32, #tpu.memory_space<vmem>>, vector<1x320xf32>
      %div3A_521 = arith.constant 4.096000e+03 : f32
      %div3A_522 = vector.broadcast %div3A_521 : f32 to vector<1x320xf32>
      %div3A_523 = arith.divf %get3A_520, %div3A_522 : vector<1x320xf32>
      %add3A_524 = arith.constant 1.000000e-07 : f32
      %add3A_525 = vector.broadcast %add3A_524 : f32 to vector<1x320xf32>
      %add3A_526 = arith.addf %div3A_523, %add3A_525 : vector<1x320xf32>
      %log3A = math.log %add3A_526 : vector<1x320xf32>
      %mul3A_527 = arith.mulf %div3A_523, %log3A : vector<1x320xf32>
      %reduce_sum3A_528 = vector.shape_cast %mul3A_527 : vector<1x320xf32> to vector<1x1x320xf32>
      %reduce_sum3A_529 = arith.constant dense<0.000000e+00> : vector<1xf32>
      %reduce_sum3A_530 = vector.multi_reduction <add>, %reduce_sum3A_528, %reduce_sum3A_529 [1, 2] : vector<1x1x320xf32> to vector<1xf32>
      %reduce_sum3A_531 = vector.shape_cast %reduce_sum3A_530 : vector<1xf32> to vector<1x1x1xf32>
      %reduce_sum3A_532 = vector.extract %reduce_sum3A_531[0, 0, 0] : f32 from vector<1x1x1xf32>
      %neg3A = arith.constant 0.000000e+00 : f32
      %neg3A_533 = arith.subf %neg3A, %reduce_sum3A_532 : f32
      %exp3A_534 = math.exp %neg3A_533 : f32
      %add3A_535 = arith.constant 0.000000e+00 : f32
      %add3A_536 = arith.addf %add3A_535, %exp3A_534 : f32
      %get3A_537 = arith.constant 0 : index
      %get3A_538 = arith.constant 0 : index
      %get3A_539 = vector.load %arg12[%get3A_537, %get3A_538] : memref<1x320xf32, #tpu.memory_space<vmem>>, vector<1x320xf32>
      %div3A_540 = arith.constant 4.096000e+03 : f32
      %div3A_541 = vector.broadcast %div3A_540 : f32 to vector<1x320xf32>
      %div3A_542 = arith.divf %get3A_539, %div3A_541 : vector<1x320xf32>
      %add3A_543 = arith.constant 1.000000e-07 : f32
      %add3A_544 = vector.broadcast %add3A_543 : f32 to vector<1x320xf32>
      %add3A_545 = arith.addf %div3A_542, %add3A_544 : vector<1x320xf32>
      %log3A_546 = math.log %add3A_545 : vector<1x320xf32>
      %mul3A_547 = arith.mulf %div3A_542, %log3A_546 : vector<1x320xf32>
      %reduce_sum3A_548 = vector.shape_cast %mul3A_547 : vector<1x320xf32> to vector<1x1x320xf32>
      %reduce_sum3A_549 = arith.constant dense<0.000000e+00> : vector<1xf32>
      %reduce_sum3A_550 = vector.multi_reduction <add>, %reduce_sum3A_548, %reduce_sum3A_549 [1, 2] : vector<1x1x320xf32> to vector<1xf32>
      %reduce_sum3A_551 = vector.shape_cast %reduce_sum3A_550 : vector<1xf32> to vector<1x1x1xf32>
      %reduce_sum3A_552 = vector.extract %reduce_sum3A_551[0, 0, 0] : f32 from vector<1x1x1xf32>
      %neg3A_553 = arith.constant 0.000000e+00 : f32
      %neg3A_554 = arith.subf %neg3A_553, %reduce_sum3A_552 : f32
      %exp3A_555 = math.exp %neg3A_554 : f32
      %add3A_556 = arith.addf %add3A_536, %exp3A_555 : f32
      %reshape3A = vector.broadcast %add3A_556 : f32 to vector<1x1xf32>
      %swap3A_557 = arith.constant 0 : index
      %swap3A_558 = arith.constant 0 : index
      %swap3A_559 = vector.load %arg7[%swap3A_557, %swap3A_558] : memref<1x1xf32, #tpu.memory_space<vmem>>, vector<1x1xf32>
      tpu.vector_store %arg7[%swap3A_557, %swap3A_558], %reshape3A {strides = array<i32>} : memref<1x1xf32, #tpu.memory_space<vmem>>, vector<1x1xf32>,
      %get3A_560 = arith.constant 0 : index
      %get3A_561 = arith.constant 0 : index
      %get3A_562 = vector.load %arg9[%get3A_560, %get3A_561] : memref<1x320xf32, #tpu.memory_space<vmem>>, vector<1x320xf32>
      %div3A_563 = arith.constant 4.096000e+03 : f32
      %div3A_564 = vector.broadcast %div3A_563 : f32 to vector<1x320xf32>
      %div3A_565 = arith.divf %get3A_562, %div3A_564 : vector<1x320xf32>
      %add3A_566 = arith.constant 1.000000e-07 : f32
      %add3A_567 = vector.broadcast %add3A_566 : f32 to vector<1x320xf32>
      %add3A_568 = arith.addf %div3A_565, %add3A_567 : vector<1x320xf32>
      %log3A_569 = math.log %add3A_568 : vector<1x320xf32>
      %mul3A_570 = arith.mulf %div3A_565, %log3A_569 : vector<1x320xf32>
      %reduce_sum3A_571 = vector.shape_cast %mul3A_570 : vector<1x320xf32> to vector<1x1x320xf32>
      %reduce_sum3A_572 = arith.constant dense<0.000000e+00> : vector<1xf32>
      %reduce_sum3A_573 = vector.multi_reduction <add>, %reduce_sum3A_571, %reduce_sum3A_572 [1, 2] : vector<1x1x320xf32> to vector<1xf32>
      %reduce_sum3A_574 = vector.shape_cast %reduce_sum3A_573 : vector<1xf32> to vector<1x1x1xf32>
      %reduce_sum3A_575 = vector.extract %reduce_sum3A_574[0, 0, 0] : f32 from vector<1x1x1xf32>
      %neg3A_576 = arith.constant 0.000000e+00 : f32
      %neg3A_577 = arith.subf %neg3A_576, %reduce_sum3A_575 : f32
      %exp3A_578 = math.exp %neg3A_577 : f32
      %add3A_579 = arith.constant 0.000000e+00 : f32
      %add3A_580 = arith.addf %add3A_579, %exp3A_578 : f32
      %get3A_581 = arith.constant 0 : index
      %get3A_582 = arith.constant 0 : index
      %get3A_583 = vector.load %arg10[%get3A_581, %get3A_582] : memref<1x320xf32, #tpu.memory_space<vmem>>, vector<1x320xf32>
      %div3A_584 = arith.constant 4.096000e+03 : f32
      %div3A_585 = vector.broadcast %div3A_584 : f32 to vector<1x320xf32>
      %div3A_586 = arith.divf %get3A_583, %div3A_585 : vector<1x320xf32>
      %add3A_587 = arith.constant 1.000000e-07 : f32
      %add3A_588 = vector.broadcast %add3A_587 : f32 to vector<1x320xf32>
      %add3A_589 = arith.addf %div3A_586, %add3A_588 : vector<1x320xf32>
      %log3A_590 = math.log %add3A_589 : vector<1x320xf32>
      %mul3A_591 = arith.mulf %div3A_586, %log3A_590 : vector<1x320xf32>
      %reduce_sum3A_592 = vector.shape_cast %mul3A_591 : vector<1x320xf32> to vector<1x1x320xf32>
      %reduce_sum3A_593 = arith.constant dense<0.000000e+00> : vector<1xf32>
      %reduce_sum3A_594 = vector.multi_reduction <add>, %reduce_sum3A_592, %reduce_sum3A_593 [1, 2] : vector<1x1x320xf32> to vector<1xf32>
      %reduce_sum3A_595 = vector.shape_cast %reduce_sum3A_594 : vector<1xf32> to vector<1x1x1xf32>
      %reduce_sum3A_596 = vector.extract %reduce_sum3A_595[0, 0, 0] : f32 from vector<1x1x1xf32>
      %neg3A_597 = arith.constant 0.000000e+00 : f32
      %neg3A_598 = arith.subf %neg3A_597, %reduce_sum3A_596 : f32
      %exp3A_599 = math.exp %neg3A_598 : f32
      %add3A_600 = arith.addf %add3A_580, %exp3A_599 : f32
      %reshape3A_601 = vector.broadcast %add3A_600 : f32 to vector<1x1xf32>
      %swap3A_602 = arith.constant 0 : index
      %swap3A_603 = arith.constant 0 : index
      %swap3A_604 = vector.load %arg8[%swap3A_602, %swap3A_603] : memref<1x1xf32, #tpu.memory_space<vmem>>, vector<1x1xf32>
      tpu.vector_store %arg8[%swap3A_602, %swap3A_603], %reshape3A_601 {strides = array<i32>} : memref<1x1xf32, #tpu.memory_space<vmem>>, vector<1x1xf32>,
    } else {
    }
    return
  }
  func.func @transform_0(%arg0: i32) -> (i32, i32) {
    %c0_i32 = arith.constant 0 : i32
    %c0_i32_0 = arith.constant 0 : i32
    return %arg0, %c0_i32 : i32, i32
  }
  func.func @transform_1(%arg0: i32) -> (i32, i32) {
    %c0_i32 = arith.constant 0 : i32
    %c0_i32_0 = arith.constant 0 : i32
    %c0_i32_1 = arith.constant 0 : i32
    return %c0_i32, %c0_i32_0 : i32, i32
  }
  func.func @transform_2(%arg0: i32) -> (i32, i32) {
    %c0_i32 = arith.constant 0 : i32
    %c0_i32_0 = arith.constant 0 : i32
    %c0_i32_1 = arith.constant 0 : i32
    return %c0_i32, %c0_i32_0 : i32, i32
  }
  func.func @transform_3(%arg0: i32) -> (i32, i32) {
    %c0_i32 = arith.constant 0 : i32
    %c0_i32_0 = arith.constant 0 : i32
    %c0_i32_1 = arith.constant 0 : i32
    return %c0_i32, %c0_i32_0 : i32, i32
  }
  func.func @transform_4(%arg0: i32) -> (i32, i32) {
    %c0_i32 = arith.constant 0 : i32
    %c0_i32_0 = arith.constant 0 : i32
    %c0_i32_1 = arith.constant 0 : i32
    return %c0_i32, %c0_i32_0 : i32, i32
  }
  func.func @transform_5(%arg0: i32) -> (i32, i32) {
    %c0_i32 = arith.constant 0 : i32
    %c0_i32_0 = arith.constant 0 : i32
    return %arg0, %c0_i32 : i32, i32
  }
  func.func @transform_6(%arg0: i32) -> (i32, i32) {
    %c0_i32 = arith.constant 0 : i32
    %c0_i32_0 = arith.constant 0 : i32
    %c0_i32_1 = arith.constant 0 : i32
    return %c0_i32, %c0_i32_0 : i32, i32
  }
  func.func @transform_7(%arg0: i32) -> (i32, i32) {
    %c0_i32 = arith.constant 0 : i32
    %c0_i32_0 = arith.constant 0 : i32
    %c0_i32_1 = arith.constant 0 : i32
    return %c0_i32, %c0_i32_0 : i32, i32
  }
}

</mosaic_0001>

<sc_bundles>
// kernel: kernel.4.cloned.1.call-start
scs
__scs_entry_jumppad:
0x0: {  	(pc) =	sbr.rel $0x88, $3  }
0x1: {  	(tag) =	ssettag $0x0;
	lr =	simm.s32 $0x1  }
0x2: {  	[smem:$0x3F9B] =	sst lr;
	_ =	strace $0xD0000000  }
0x3: {  	_ = 	snop  }
0x4: {  	_ = 	snop  }
0x5: {  	_ = 	snop  }
0x6: {  	_ = 	snop  }
0x7: {  	_ = 	snop  }
__scs_overlays_trampoline_lowered:
0x8: {  	[smem:$0x3FAA] =	sst s0  }
0x9: {  	[smem:$0x3FAB] =	sst s1  }
0xa: {  	[smem:$0x3FAC] =	sst s2  }
0xb: {  	[smem:$0x3FAD] =	sst s3  }
0xc: {  	[smem:$0x3FAE] =	sst s4  }
0xd: {  	[smem:$0x3FAF] =	sst s5  }
0xe: {  	[smem:$0x3FB0] =	sst s6  }
0xf: {  	[smem:$0x3FB1] =	sst s7  }
0x10: {  	[smem:$0x3FB2] =	sst s8  }
0x11: {  	[smem:$0x3FB3] =	sst s9;
	s0 =	simm.s32 @!p0 $0x0  }
0x12: {  	s1 =	sld [smem:$0x3F99];
	s0 =	simm.s32 @p0 $0x1  }
0x13: {  	[smem:$0x3FB4] =	sst s0;
	s0 =	simm.s32 @!p1 $0x0  }
0x14: {  	s2 =	sld [smem:$0x3F98];
	s0 =	simm.s32 @p1 $0x1  }
0x15: {  	[smem:$0x3FB5] =	sst s0;
	s0 =	simm.s32 @!p2 $0x0  }
0x16: {  	s3 =	sld [smem:$0x3FDB];
	s0 =	simm.s32 @p2 $0x1  }
0x17: {  	s4 =	simm.s32 $0x1BF5;
	[smem:$0x3FB7] =	sst s0  }
0x18: {  	s0 =	sld [smem:$0x3F9A];
	_ =	swait.ge [sflag:s4], $0x0  }
0x19: {  	s7 =	sld [smem:$0x3F9B]  }
0x1a: {  	s8 =	sadd.s32 $0xFFFFE003, lr  }
0x1b: {  	s9 =	sadd.s32 $0xFFFFFEF7, lr;
	s5 =	simm.s32 $0xFFFFFFFF;
	p2 =	slt.u32 s8, $0xFFFFF086  }
0x1c: {  	p1 =	slt.u32 s9, $0xF7A;
	s5 =	simm.s32 @!p2 $0x0  }
0x1d: {  	s5 =	simm.s32 @p1 $0x1;
	p0 =	seq.s32 s7, s2  }
0x1e: {  	s7 =	smul.u32 @!p0 $0xF7A, s2;
	p2 =	seq.s32 @!p0 s5, $0x0  }
0x1f: {  	s9 =	smul.u32 $0xF7A, s1;
	s8 =	simm.s32 @!p0 $0x1BF5;
	p2 =	por !p2, p0  }
0x20: {  	[sflag:s8] =	ssyncset.s32 @!p0 $0xFFFFF086;
	s6 =	sadd.s32 @!p0 s3, s7;
	s7 =	simm.s32 @!p0 $0x108  }
0x21: {  	s3 =	sadd.s32 s3, s9;
	s6 =	sadd.s32 @!p0 $0x88, s6;
	s7 =	simm.s32 @p2 $0x1082  }
0x22: {  	[simem:s7], [sflag:s8] =	dma.local @!p0 [hbm:s6], $0xF7A  }
0x23: {  	s9 =	sor.u32 $0xD0000000, s2;
	s6 =	simm.s32 $0x108;
	_ =	swait.ge @!p0 [sflag:s8], $0x0  }
0x24: {  	s3 =	sadd.s32 $0x88, s3;
	s6 =	simm.s32 @!p1 $0x1082;
	[sflag:s4] =	ssyncset.s32 $0xFFFFF086  }
0x25: {  	[simem:s6], [sflag:s4] =	dma.local [hbm:s3], $0xF7A  }
0x26: {  	[smem:$0x3F9B] =	sst s1;
	(tag) =	ssettag s2;
	_ =	strace s9  }
0x27: {  	s1 =	sld [smem:$0x3FAB]  }
0x28: {  	s2 =	sld [smem:$0x3FAC]  }
0x29: {  	s4 =	sld [smem:$0x3FAE]  }
0x2a: {  	p0 =	seq.s32 s5, $0x0;
	s5 =	sld [smem:$0x3FAF]  }
0x2b: {  	s6 =	sld [smem:$0x3FB0]  }
0x2c: {  	s7 =	sld [smem:$0x3FB1]  }
0x2d: {  	s3 =	simm.s32 $0x108;
	s8 =	sld [smem:$0x3FB2]  }
0x2e: {  	s3 =	simm.s32 @!p0 $0x1082;
	s9 =	sld [smem:$0x3FB3]  }
0x2f: {  	lr =	sadd.s32 s0, s3;
	s0 =	sld [smem:$0x3FAA]  }
0x30: {  	s3 =	sld [smem:$0x3FAD]  }
0x31: {  	[smem:$0x3FB6] =	sst s10  }
0x32: {  	s10 =	sld [smem:$0x3FB4];
	_ =	sdelay $0x3  }
0x33: {  	p0 =	seq.s32 s10, $0x1;
	s10 =	sld [smem:$0x3FB6];
	_ =	sdelay $0x3  }
0x34: {  	[smem:$0x3FB6] =	sst s10  }
0x35: {  	s10 =	sld [smem:$0x3FB5];
	_ =	sdelay $0x3  }
0x36: {  	p1 =	seq.s32 s10, $0x1;
	s10 =	sld [smem:$0x3FB6];
	_ =	sdelay $0x3  }
0x37: {  	[smem:$0x3FB6] =	sst s10  }
0x38: {  	s10 =	sld [smem:$0x3FB7]  }
0x39: {  	_ = 	snop;
	(pc) =	sbr.ind lr, $3  }
0x3a: {  	_ = 	snop  }
0x3b: {  	_ = 	snop  }
0x3c: {  	p2 =	seq.s32 s10, $0x1;
	s10 =	sld [smem:$0x3FB6]  }
0x3d: {  	_ =	shalt  }
0x3e: {  	_ =	shalt  }
0x3f: {  	_ =	shalt  }
0x40: {  	_ =	shalt  }
0x41: {  	_ =	shalt  }
0x42: {  	_ =	shalt  }
0x43: {  	_ =	shalt  }
0x44: {  	_ =	shalt  }
0x45: {  	_ =	shalt  }
0x46: {  	_ =	shalt  }
0x47: {  	_ =	shalt  }
0x48: {  	_ =	shalt  }
0x49: {  	_ =	shalt  }
0x4a: {  	_ =	shalt  }
0x4b: {  	_ =	shalt  }
0x4c: {  	_ =	shalt  }
0x4d: {  	_ =	shalt  }
0x4e: {  	_ =	shalt  }
0x4f: {  	_ =	shalt  }
0x50: {  	_ =	shalt  }
0x51: {  	_ =	shalt  }
0x52: {  	_ =	shalt  }
0x53: {  	_ =	shalt  }
0x54: {  	_ =	shalt  }
0x55: {  	_ =	shalt  }
0x56: {  	_ =	shalt  }
0x57: {  	_ =	shalt  }
0x58: {  	_ =	shalt  }
0x59: {  	_ =	shalt  }
0x5a: {  	_ =	shalt  }
0x5b: {  	_ =	shalt  }
0x5c: {  	_ =	shalt  }
0x5d: {  	_ =	shalt  }
0x5e: {  	_ =	shalt  }
0x5f: {  	_ =	shalt  }
0x60: {  	_ =	shalt  }
0x61: {  	_ =	shalt  }
0x62: {  	_ =	shalt  }
0x63: {  	_ =	shalt  }
0x64: {  	_ =	shalt  }
0x65: {  	_ =	shalt  }
0x66: {  	_ =	shalt  }
0x67: {  	_ =	shalt  }
0x68: {  	_ =	shalt  }
0x69: {  	_ =	shalt  }
0x6a: {  	_ =	shalt  }
0x6b: {  	_ =	shalt  }
0x6c: {  	_ =	shalt  }
0x6d: {  	_ =	shalt  }
0x6e: {  	_ =	shalt  }
0x6f: {  	_ =	shalt  }
0x70: {  	_ =	shalt  }
0x71: {  	_ =	shalt  }
0x72: {  	_ =	shalt  }
0x73: {  	_ =	shalt  }
0x74: {  	_ =	shalt  }
0x75: {  	_ =	shalt  }
0x76: {  	_ =	shalt  }
0x77: {  	_ =	shalt  }
0x78: {  	_ =	shalt  }
0x79: {  	_ =	shalt  }
0x7a: {  	_ =	shalt  }
0x7b: {  	_ =	shalt  }
0x7c: {  	_ =	shalt  }
0x7d: {  	_ =	shalt  }
0x7e: {  	_ =	shalt  }
0x7f: {  	_ =	shalt  }
0x80: {  	_ =	shalt  }
0x81: {  	_ =	shalt  }
0x82: {  	_ =	shalt  }
0x83: {  	_ =	shalt  }
0x84: {  	_ =	shalt  }
0x85: {  	_ =	shalt  }
0x86: {  	_ =	shalt  }
0x87: {  	_ =	shalt  }
.Lfunc_end0:
.L_simem_size_0:
called_computation_lowered:
.L_overlay_start_0:
0x88: {  	s2 =	sld [smem:$0x3FD9]  }
0x89: {  	s3 =	sld [smem:$0x3FFE];
	_ =	sdelay $0x1  }
0x8a: {  	s1 =	srdreg.scid  }
0x8b: {  	s0 =	sand.u32 $0x1, s1  }
0x8c: {  	s14 =	sshll.u32 s0, $0xA;
	s2 =	sadd.s32 s3, s2  }
0x8d: {  	s2 =	sadd.s32 s2, s14  }
0x8e: {  	[smem:$0x3FC2] =	sst s2  }
0x8f: {  	_ = 	snop  }
0x90: {  	s2 =	sld [smem:$0x3FD0];
	_ =	sdelay $0x2  }
0x91: {  	s4 =	simm.s32 $0xA;
	s5 =	simm.s32 $0x10;
	s15 =	sld [smem:$0x3FC8]  }
0x92: {  	[smem:s5], [sflag:s4] =	dma.local [hbm:s2], $0x1  }
0x93: {  	_ =	swait.eq [sflag:s4], $0x1  }
0x94: {  	[sflag:s4] =	ssyncset.done $0x0  }
0x95: {  	[sflag:s4] =	ssyncadd.s32 $0xFFFFFFFF  }
0x96: {  	s16 =	sld [smem:$0x10];
	(tm) =	ssettm $0x1  }
0x97: {  	s17 =	sld [smem:$0x3FFB];
	_ =	sdelay $0x3  }
0x98: {  	_ =	strace s17  }
0x99: {  	s4 =	sld [smem:$0x3FFC];
	_ =	sdelay $0x3  }
0x9a: {  	_ =	strace s4  }
0x9b: {  	s4 =	sld [smem:$0x3FFD];
	_ =	sdelay $0x3  }
0x9c: {  	_ =	strace s4  }
0x9d: {  	_ =	strace $0x8FFFFFFF  }
0x9e: {  	s18 =	sld [smem:$0x3FDB];
	_ =	sdelay $0x1  }
0x9f: {  	s19 =	simm.s32 $_scs_section_size  }
0xa0: {  	s6 =	simm.s32 $_size__tile_overlayer_lowered;
	s7 =	simm.s32 $_tile_overlayer_lowered  }
0xa1: {  	s22 =	simm.s32 $0x1BFF;
	s21 =	sshll.u32 s7, $0x1;
	s4 =	sadd.s32 s19, s18  }
0xa2: {  	s8 =	simm.s32 $0x0;
	s20 =	sshll.u32 s6, $0x1;
	s6 =	sadd.s32 s21, s4  }
0xa3: {  	[timem:s8], [sflag:s22] =	dma.local [hbm:s6], s20  }
0xa4: {  	_ =	swait.ge [sflag:s22], s20  }
0xa5: {  	s5 =	ssub.s32 $0x0, s20;
	[sflag:s22] =	ssyncset.done $0x0  }
0xa6: {  	[sflag:s22] =	ssyncadd.s32 s5;
	_ =	sdelay $0x1  }
0xa7: {  	s23 =	simm.s32 $0x1B8B  }
0xa8: {  	_ =	swait.ge [sflag:s23], $0x1  }
0xa9: {  	[sflag:s23] =	ssyncset.done $0x0  }
0xaa: {  	s25 =	simm.s32 $0x1B8E;
	s24 =	sld [smem:$0x3FFE];
	[sflag:s23] =	ssyncadd.s32 $0xFFFFFFFF  }
0xab: {  	s26 =	simm.s32 $execute0_lowered;
	[smem:$0x3FD2] =	sst s25  }
0xac: {  	s6 =	sshll.u32 s26, $0x1;
	_ =	strace $0x80000046;
	[dreg:$0x1] =	wrdreg $0xFFFFFFFF  }
0xad: {  	s28 =	simm.s32 $_size_execute0_lowered;
	s4 =	sadd.s32 s4, s6;
	[dreg:$0x0] =	wrdreg $0x0  }
0xae: {  	s6 =	sshll.u32 s28, $0x1;
	[dreg:$0x2] =	wrdreg s4  }
0xaf: {  	[dreg:$0x3] =	wrdreg s6  }
0xb0: {  	[dreg:$0x4] =	wrdreg $0xC0  }
0xb1: {  	_ =	task [dreg:s8], $0x5FFFF  }
0xb2: {  	[dreg:$0x1] =	wrdreg $0xFFFFFFFF  }
0xb3: {  	[dreg:$0x0] =	wrdreg $0x60  }
0xb4: {  	[dreg:$0x2] =	wrdreg s15  }
0xb5: {  	[dreg:$0x3] =	wrdreg s16  }
0xb6: {  	[dreg:$0x4] =	wrdreg s24  }
0xb7: {  	[dreg:$0x5] =	wrdreg $0x9  }
0xb8: {  	_ =	task.clear_ibuf [dreg:s8], $0x6FFFF;
	_ =	strace $0x90000046  }
0xb9: {  	s29 =	simm.s32 $0x9;
	_ =	strace $0x80000048  }
0xba: {  	_ =	swait.ge [sflag:s29], $0x1  }
0xbb: {  	[sflag:s29] =	ssyncadd.s32 $0xFFFFFFFF  }
0xbc: {  	_ =	strace $0x90000048  }
0xbd: {  	_ =	sfence  }
0xbe: {  	s30 =	sld [smem:$0x0];
	_ =	sdelay $0x2  }
0xbf: {  	s31 =	sshll.u32 s1, $0xD;
	s1 =	sshrl.u32 s1, $0x2  }
0xc0: {  	s3 =	sand.u32 $0x4000, s31;
	s1 =	sadd.s32 s1, s30  }
0xc1: {  	s0 =	sor.u32 s3, s0;
	s1 =	sshll.u32 s1, $0x11  }
0xc2: {  	s0 =	sor.u32 s1, s0  }
0xc3: {  	s0 =	sadd.s32 $0x8F2B, s0  }
0xc4: {  	[sflag:s0] =	ssyncadd.remote.s32 $0x1  }
0xc5: {  	_ =	sfence.sel $0xFFFF  }
0xc6: {  	[dreg:$0x0] =	wrdreg $0xFFFFFFFF;
	(pc) =	sbr.abs _section_cstart, $3  }
0xc7: {  	[dreg:$0x1] =	wrdreg $0xFFFFFFFF  }
0xc8: {  	_ =	task.clear_ibuf [dreg:s8], $0x2FFFF;
	_ =	strace $0x9FFFFFFF  }
0xc9: {  	(tm) =	ssettm $0x7FFFFFFF  }
tec
execute0_lowered:
.L_overlay_start_1:
0x0: {  	(tag) =	ssettag $0x1  }
0x1: {  	s1 =	rddreg [dreg:$0x0];
	s2 =	srdreg.scid  }
0x2: {  	s4 =	rddreg [dreg:$0x1];
	s0 =	stileid.u32;
	s10 =	sand.u32 $0x1, s2  }
0x3: {  	s11 =	rddreg [dreg:$0x2];
	s5 =	sshll.u32 s0, $0x9;
	s6 =	sshll.u32 s10, $0x8  }
0x4: {  	s3 =	simm.s32 $0x0;
	s2 =	rddreg [dreg:$0x3];
	s12 =	sor.u32 s6, s5  }
0x5: {  	[smem:$0x7FF] =	sst s3;
	s5 =	sshrl.u32 s12, $0x3  }
0x6: {  	_ =	strace $0x80000047;
	s5 =	sadd.s32 s4, s5;
	s4 =	simm.s32 $0x2  }
0x7: {  	[tilespmem:s3], [sflag:$0x2] =	stream.linear.gather [hbm4b:s5+s3], $0x100, $0x38;
	[tilespmem:$0x8100] =	vst v63  }
0x8: {  	_ =	swait.ge [sflag:s4], $0x100  }
0x9: {  	[sflag:s4] =	ssyncset.done $0x0  }
0xa: {  	s7 =	simm.s32 $0x100;
	s6 =	simm.s32 $0x80;
	[sflag:s4] =	ssyncadd.s32 $0xFFFFFF00  }
0xb: {  	[tilespmem:s7], [sflag:$0x1] =	stream.indirect.gather [hbm4b:s1+s6], $0x80, s3, s6, $0xb8;
	[tilespmem:$0x8100] =	vst v63  }
0xc: {  	s8 =	simm.s32 $0x4100;
	s9 =	simm.s32 $0x1;
	s10 =	ssub.s32 $0x2, s10  }
0xd: {  	[tilespmem:s8], [sflag:$0x1] =	stream.indirect.gather [hbm4b:s1+s6], $0x80, s6, s6, $0xb8;
	[tilespmem:$0x8100] =	vst v63  }
0xe: {  	s13 =	sshrl.u32 s10, $0x1;
	_ =	swait.ge [sflag:s9], $0x4000  }
0xf: {  	s30 =	ssub.s32 s10, s13;
	[sflag:s9] =	ssyncset.done $0x0  }
0x10: {  	s31 =	smax.u32 s30, $0x1;
	[sflag:s9] =	ssyncadd.s32 $0xFFFFC000  }
0x11: {  	s12 =	sshll.u32 s12, $0x4;
	p0 =	sne.s32 s31, $0x1;
	_ =	swait.ge [sflag:s9], $0x4000  }
.Ltmp0:
0x12: {  	s11 =	sadd.s32 s12, s11;
	[sflag:s9] =	ssyncset.done $0x0;
	(pc) =	sbr.rel @!p0 .LBB2_2-.Ltmp0, $4  }
0x13: {  	s10 =	sadd.s32 $0xC00, s11;
	[sflag:s9] =	ssyncadd.s32 $0xFFFFC000  }
0x14: {  	[hbm4b:s10+s3] =	stream.linear.scatter [tilespmem:s7], [sflag:$0x2], $0x8000, $0x38;
	[tilespmem:$0x8100] =	vst v63  }
0x15: {  	_ =	swait.ge [sflag:s4], $0x8000  }
0x16: {  	s11 =	sadd.s32 $0xFFFFFFFF, s31;
	[sflag:s4] =	ssyncset.done $0x0  }
.LBB2_1:
0x17: {  	p0 =	sne.s32 s11, $0x1;
	s11 =	sadd.s32 $0xFFFFFFFF, s11;
	[sflag:s4] =	ssyncadd.s32 $0xFFFF8000  }
0x18: {  	[tilespmem:s3], [sflag:$0x2] =	stream.linear.gather [hbm4b:s5+s3], $0x100, $0x38;
	[tilespmem:$0x8100] =	vst v63  }
0x19: {  	_ =	swait.ge [sflag:s4], $0x100  }
0x1a: {  	[sflag:s4] =	ssyncset.done $0x0  }
0x1b: {  	[sflag:s4] =	ssyncadd.s32 $0xFFFFFF00  }
0x1c: {  	[tilespmem:s7], [sflag:$0x1] =	stream.indirect.gather [hbm4b:s1+s6], $0x80, s3, s6, $0xb8;
	[tilespmem:$0x8100] =	vst v63  }
0x1d: {  	_ = 	snop  }
0x1e: {  	[tilespmem:s8], [sflag:$0x1] =	stream.indirect.gather [hbm4b:s1+s6], $0x80, s6, s6, $0xb8;
	[tilespmem:$0x8100] =	vst v63  }
0x1f: {  	_ =	swait.ge [sflag:s9], $0x4000  }
0x20: {  	[sflag:s9] =	ssyncset.done $0x0  }
0x21: {  	[sflag:s9] =	ssyncadd.s32 $0xFFFFC000  }
0x22: {  	_ =	swait.ge [sflag:s9], $0x4000  }
.Ltmp1:
0x23: {  	[sflag:s9] =	ssyncset.done $0x0;
	(pc) =	sbr.rel @p0 .LBB2_1-.Ltmp1, $4  }
0x24: {  	[sflag:s9] =	ssyncadd.s32 $0xFFFFC000  }
0x25: {  	[hbm4b:s10+s3] =	stream.linear.scatter [tilespmem:s7], [sflag:$0x2], $0x8000, $0x38;
	[tilespmem:$0x8100] =	vst v63  }
0x26: {  	_ =	swait.ge [sflag:s4], $0x8000  }
0x27: {  	[sflag:s4] =	ssyncset.done $0x0  }
.LBB2_2:
0x28: {  	[sflag:s4] =	ssyncadd.s32 $0xFFFF8000  }
0x29: {  	_ =	sfence.sel $0x180000  }
0x2a: {  	[bflag:$0x0] =	sbarrier.arrive $0xFFFF  }
0x2b: {  	p0 =	sne.s32 s0, $0x0;
	_ =	strace $0x90000047  }
0x2c: {  	s0 =	sadd.s32 @!p0 $0x100000, s2;
	[bflag:$0x2] =	sbarrier.arrive $0xFFFF  }
0x2d: {  	[sflag:s0] =	ssyncadd.tile.s32 @!p0 $0x1;
	_ =	shalt  }
.Lfunc_end2:
_tile_overlayer_lowered:
.L_overlay_start_2:
0x2e: {  	(tag) =	ssettag $0x2  }
0x2f: {  	s0 =	rddreg [dreg:$0x0];
	s2 =	stileid.u32  }
0x30: {  	s1 =	rddreg [dreg:$0x1];
	p0 =	sne.s32 s2, $0x0  }
0x31: {  	s3 =	rddreg [dreg:$0x2];
	[bflag:$0x3] =	sbarrier.arrive $0xFFFF;
	s2 =	simm.s32 @!p0 $0x1C02  }
0x32: {  	[timem:s3], [sflag:s2] =	dma.local @!p0 [hbm:s0], s1  }
0x33: {  	s0 =	simm.s32 @!p0 $0x2  }
0x34: {  	_ =	swait.ge @!p0 [sflag:s0], s1  }
0x35: {  	s1 =	ssub.s32 @!p0 $0x0, s1;
	[sflag:s0] =	ssyncset.done @!p0 $0x0  }
0x36: {  	[sflag:s0] =	ssyncadd.s32 @!p0 s1  }
0x37: {  	[bflag:$0x3] =	sbarrier.arrive $0xFFFF  }
0x38: {  	_ =	shalt  }

</sc_bundles>
